<compile_context>
chip_gen: v7x
topology: tpu7x:2x2x1
jax: 0.10.2.dev20260603
libtpu: 0.0.44.dev20260713+nightly
codegen_flags: <defaults>
</compile_context>

<pallas_src>
import functools

import jax
import jax.numpy as jnp
from jax import lax
from jax.experimental import pallas as pl
from jax.experimental.pallas import tpu as pltpu, tpu_sc as plsc

NUM_FIELDS = 26
FIELD_DIM = 40000
BATCH = 16384
L = 16


def _make_kernel(nw):
    b_per_w = BATCH // nw
    n_idx = b_per_w * NUM_FIELDS
    n_chunks = b_per_w // L

    mesh = plsc.VectorSubcoreMesh(core_axis_name="c", subcore_axis_name="s")

    @functools.partial(
        pl.kernel,
        mesh=mesh,
        out_type=jax.ShapeDtypeStruct((1, BATCH), jnp.float32),
        scratch_types=[
            pltpu.VMEM((n_idx,), jnp.int32),
            pltpu.VMEM((n_idx,), jnp.int32),
            pltpu.VMEM((n_idx,), jnp.float32),
            pltpu.VMEM((b_per_w,), jnp.float32),
            pltpu.VMEM((L,), jnp.float32),
            pltpu.SemaphoreType.DMA,
            pltpu.SemaphoreType.DMA,
        ],
    )
    def k(xt_hbm, emb2d_hbm, bias_hbm, out2d_hbm, xv, idxv, rowsv, outv, biasv,
          sem, xsem):
        emb_hbm = emb2d_hbm.at[0]
        out_hbm = out2d_hbm.at[0]
        ncores = lax.axis_size("c")
        wid = lax.axis_index("s") * ncores + lax.axis_index("c")
        base = wid * b_per_w

        for f in range(NUM_FIELDS):
            pltpu.async_copy(
                xt_hbm.at[pl.ds(f * BATCH + base, b_per_w)],
                xv.at[pl.ds(f * b_per_w, b_per_w)],
                xsem,
            )

        def build_fire(f, _):
            fo = f * b_per_w
            pltpu.make_async_copy(
                xt_hbm.at[pl.ds(f * BATCH + base, b_per_w)],
                xv.at[pl.ds(fo, b_per_w)],
                xsem,
            ).wait()

            def build_c(c, _):
                o = fo + c * L
                idxv[pl.ds(o, L)] = xv[pl.ds(o, L)] + f * FIELD_DIM
                return 0

            lax.fori_loop(0, n_chunks, build_c, 0, unroll=8)
            pltpu.async_copy(
                emb_hbm.at[idxv.at[pl.ds(fo, b_per_w)]],
                rowsv.at[pl.ds(fo, b_per_w)],
                sem,
            )
            return 0

        lax.fori_loop(0, NUM_FIELDS, build_fire, 0)
        pltpu.sync_copy(bias_hbm, biasv)

        bias_vec = biasv[...]

        def seed_c(c, _):
            outv[pl.ds(c * L, L)] = bias_vec
            return 0

        lax.fori_loop(0, n_chunks, seed_c, 0, unroll=8)

        def drain_red(f, _):
            fo = f * b_per_w
            pltpu.make_async_copy(
                emb_hbm.at[idxv.at[pl.ds(fo, b_per_w)]],
                rowsv.at[pl.ds(fo, b_per_w)],
                sem,
            ).wait()

            def red_c(c, _):
                co = c * L
                outv[pl.ds(co, L)] = outv[pl.ds(co, L)] + rowsv[pl.ds(fo + co, L)]
                return 0

            lax.fori_loop(0, n_chunks, red_c, 0, unroll=8)
            return 0

        lax.fori_loop(0, NUM_FIELDS, drain_red, 0)

        pltpu.sync_copy(outv, out_hbm.at[pl.ds(base, b_per_w)])

    return k


def kernel(x, emb, bias):
    info = plsc.get_sparse_core_info()
    nw = info.num_cores * info.num_subcores
    xt_flat = jnp.transpose(x).reshape(-1)
    bias16 = jnp.broadcast_to(bias, (L,))
    out = _make_kernel(nw)(xt_flat, emb.reshape(1, -1), bias16)
    return out.reshape(BATCH, 1)

# --- scband reference (transcript-rebuilt; emitter-appended) ---
"""Pipeline reference for scband-features-linear-25391846654803 (READ-ONLY COPY).

The authoritative reference and input builder live on the scoring server;
editing this copy changes nothing except your own understanding.
"""

import jax, jax.numpy as jnp
import numpy as np

NUM_FIELDS = 26
FIELD_DIM = 40000
TOTAL_ROWS = NUM_FIELDS * FIELD_DIM  # 1_040_000
BATCH = 16384
OUTPUT_DIM = 1


def setup_inputs(seed: int = 0) -> dict:
    key = jax.random.key(seed)
    k_x, k_emb = jax.random.split(key, 2)
    # per-field indices in [0, FIELD_DIM)
    x = jax.random.randint(k_x, (BATCH, NUM_FIELDS), 0, FIELD_DIM, dtype=jnp.int32)
    # learned parameters per init_kwargs: nn.Embedding(sum(field_dims), output_dim)
    emb = jax.random.normal(k_emb, (TOTAL_ROWS, OUTPUT_DIM), dtype=jnp.float32) * 0.01
    bias = jnp.zeros((OUTPUT_DIM,), dtype=jnp.float32)
    return {"x": x, "emb": emb, "bias": bias}


def reference(x, emb, bias):
    # offsets = (0, cumsum(field_dims)[:-1]) — equal field dims so arange*FIELD_DIM
    offsets = (jnp.arange(NUM_FIELDS, dtype=x.dtype) * FIELD_DIM)[None, :]
    idx = x + offsets                      # (B, F) global row ids
    gathered = jnp.take(emb, idx, axis=0)  # (B, F, output_dim) embedding gather
    out = jnp.sum(gathered, axis=1) + bias # (B, output_dim)
    return out

if __name__ == "__main__":
    import jax
    _d = setup_inputs()
    print(jax.jit(kernel)(*tuple(_d.values())))

</pallas_src>

<mosaic_0001>
#map = affine_map<(d0, d1) -> (0)>
#map1 = affine_map<(d0, d1) -> (0, 0)>
module attributes {stable_mosaic.version = 14 : i64} {
  func.func @k(%arg0: i32, %arg1: i32, %arg2: memref<425984xi32, #tpu.memory_space<hbm>>, %arg3: memref<1x1040000xf32, #tpu.memory_space<hbm>>, %arg4: memref<16xf32, #tpu.memory_space<hbm>>, %arg5: memref<1x16384xf32, #tpu.memory_space<hbm>>, %arg6: memref<13312xi32, #tpu.memory_space<vmem>>, %arg7: memref<13312xi32, #tpu.memory_space<vmem>>, %arg8: memref<13312xf32, #tpu.memory_space<vmem>>, %arg9: memref<512xf32, #tpu.memory_space<vmem>>, %arg10: memref<16xf32, #tpu.memory_space<vmem>>, %arg11: memref<!tpu.dma_semaphore, #tpu.memory_space<semaphore_mem>>, %arg12: memref<!tpu.dma_semaphore, #tpu.memory_space<semaphore_mem>>) attributes {dimension_semantics = [#tpu.dimension_semantics<core_parallel>, #tpu.dimension_semantics<subcore_parallel>], iteration_bounds = array<i64: 2, 16>, scalar_prefetch = 0 : i64, scratch_operands = 7 : i64, tpu.core_type = #tpu.core_type<sc_vector_subcore>, window_params = [{transform_indices = #map}, {transform_indices = #map1}, {transform_indices = #map}, {transform_indices = #map1}]} {
    %mul3A = arith.constant 2 : i32
    %mul3A_0 = arith.muli %arg1, %mul3A : i32
    %add3A = arith.addi %mul3A_0, %arg0 : i32
    %mul3A_1 = arith.constant 512 : i32
    %mul3A_2 = arith.muli %add3A, %mul3A_1 : i32
    %add3A_3 = arith.constant 0 : i32
    %add3A_4 = arith.addi %add3A_3, %mul3A_2 : i32
    %dma_start3A = arith.constant 0 : i32
    %dma_start3A_5 = tpu.memref_slice %arg6[%dma_start3A] : memref<13312xi32, #tpu.memory_space<vmem>> -> memref<512xi32, #tpu.memory_space<vmem>>
    %dma_start3A_6 = tpu.memref_slice %arg2[%add3A_4] : memref<425984xi32, #tpu.memory_space<hbm>> -> memref<512xi32, #tpu.memory_space<hbm>>
    %dma_start3A_7 = arith.constant 0 : i32
    %dma_start3A_8 = tpu.memref_slice %arg6[%dma_start3A_7] : memref<13312xi32, #tpu.memory_space<vmem>> -> memref<512xi32, #tpu.memory_space<vmem>>
    %dma_start3A_9 = tpu.memref_slice %arg2[%add3A_4] : memref<425984xi32, #tpu.memory_space<hbm>> -> memref<512xi32, #tpu.memory_space<hbm>>
    tpu.enqueue_dma source(%dma_start3A_9 : memref<512xi32, #tpu.memory_space<hbm>>) target(%dma_start3A_8 : memref<512xi32, #tpu.memory_space<vmem>>) target_semaphore(%arg12 : memref<!tpu.dma_semaphore, #tpu.memory_space<semaphore_mem>>)
    %add3A_10 = arith.constant 16384 : i32
    %add3A_11 = arith.addi %add3A_10, %mul3A_2 : i32
    %dma_start3A_12 = arith.constant 512 : i32
    %dma_start3A_13 = tpu.memref_slice %arg6[%dma_start3A_12] : memref<13312xi32, #tpu.memory_space<vmem>> -> memref<512xi32, #tpu.memory_space<vmem>>
    %dma_start3A_14 = tpu.memref_slice %arg2[%add3A_11] : memref<425984xi32, #tpu.memory_space<hbm>> -> memref<512xi32, #tpu.memory_space<hbm>>
    %dma_start3A_15 = arith.constant 512 : i32
    %dma_start3A_16 = tpu.memref_slice %arg6[%dma_start3A_15] : memref<13312xi32, #tpu.memory_space<vmem>> -> memref<512xi32, #tpu.memory_space<vmem>>
    %dma_start3A_17 = tpu.memref_slice %arg2[%add3A_11] : memref<425984xi32, #tpu.memory_space<hbm>> -> memref<512xi32, #tpu.memory_space<hbm>>
    tpu.enqueue_dma source(%dma_start3A_17 : memref<512xi32, #tpu.memory_space<hbm>>) target(%dma_start3A_16 : memref<512xi32, #tpu.memory_space<vmem>>) target_semaphore(%arg12 : memref<!tpu.dma_semaphore, #tpu.memory_space<semaphore_mem>>)
    %add3A_18 = arith.constant 32768 : i32
    %add3A_19 = arith.addi %add3A_18, %mul3A_2 : i32
    %dma_start3A_20 = arith.constant 1024 : i32
    %dma_start3A_21 = tpu.memref_slice %arg6[%dma_start3A_20] : memref<13312xi32, #tpu.memory_space<vmem>> -> memref<512xi32, #tpu.memory_space<vmem>>
    %dma_start3A_22 = tpu.memref_slice %arg2[%add3A_19] : memref<425984xi32, #tpu.memory_space<hbm>> -> memref<512xi32, #tpu.memory_space<hbm>>
    %dma_start3A_23 = arith.constant 1024 : i32
    %dma_start3A_24 = tpu.memref_slice %arg6[%dma_start3A_23] : memref<13312xi32, #tpu.memory_space<vmem>> -> memref<512xi32, #tpu.memory_space<vmem>>
    %dma_start3A_25 = tpu.memref_slice %arg2[%add3A_19] : memref<425984xi32, #tpu.memory_space<hbm>> -> memref<512xi32, #tpu.memory_space<hbm>>
    tpu.enqueue_dma source(%dma_start3A_25 : memref<512xi32, #tpu.memory_space<hbm>>) target(%dma_start3A_24 : memref<512xi32, #tpu.memory_space<vmem>>) target_semaphore(%arg12 : memref<!tpu.dma_semaphore, #tpu.memory_space<semaphore_mem>>)
    %add3A_26 = arith.constant 49152 : i32
    %add3A_27 = arith.addi %add3A_26, %mul3A_2 : i32
    %dma_start3A_28 = arith.constant 1536 : i32
    %dma_start3A_29 = tpu.memref_slice %arg6[%dma_start3A_28] : memref<13312xi32, #tpu.memory_space<vmem>> -> memref<512xi32, #tpu.memory_space<vmem>>
    %dma_start3A_30 = tpu.memref_slice %arg2[%add3A_27] : memref<425984xi32, #tpu.memory_space<hbm>> -> memref<512xi32, #tpu.memory_space<hbm>>
    %dma_start3A_31 = arith.constant 1536 : i32
    %dma_start3A_32 = tpu.memref_slice %arg6[%dma_start3A_31] : memref<13312xi32, #tpu.memory_space<vmem>> -> memref<512xi32, #tpu.memory_space<vmem>>
    %dma_start3A_33 = tpu.memref_slice %arg2[%add3A_27] : memref<425984xi32, #tpu.memory_space<hbm>> -> memref<512xi32, #tpu.memory_space<hbm>>
    tpu.enqueue_dma source(%dma_start3A_33 : memref<512xi32, #tpu.memory_space<hbm>>) target(%dma_start3A_32 : memref<512xi32, #tpu.memory_space<vmem>>) target_semaphore(%arg12 : memref<!tpu.dma_semaphore, #tpu.memory_space<semaphore_mem>>)
    %add3A_34 = arith.constant 65536 : i32
    %add3A_35 = arith.addi %add3A_34, %mul3A_2 : i32
    %dma_start3A_36 = arith.constant 2048 : i32
    %dma_start3A_37 = tpu.memref_slice %arg6[%dma_start3A_36] : memref<13312xi32, #tpu.memory_space<vmem>> -> memref<512xi32, #tpu.memory_space<vmem>>
    %dma_start3A_38 = tpu.memref_slice %arg2[%add3A_35] : memref<425984xi32, #tpu.memory_space<hbm>> -> memref<512xi32, #tpu.memory_space<hbm>>
    %dma_start3A_39 = arith.constant 2048 : i32
    %dma_start3A_40 = tpu.memref_slice %arg6[%dma_start3A_39] : memref<13312xi32, #tpu.memory_space<vmem>> -> memref<512xi32, #tpu.memory_space<vmem>>
    %dma_start3A_41 = tpu.memref_slice %arg2[%add3A_35] : memref<425984xi32, #tpu.memory_space<hbm>> -> memref<512xi32, #tpu.memory_space<hbm>>
    tpu.enqueue_dma source(%dma_start3A_41 : memref<512xi32, #tpu.memory_space<hbm>>) target(%dma_start3A_40 : memref<512xi32, #tpu.memory_space<vmem>>) target_semaphore(%arg12 : memref<!tpu.dma_semaphore, #tpu.memory_space<semaphore_mem>>)
    %add3A_42 = arith.constant 81920 : i32
    %add3A_43 = arith.addi %add3A_42, %mul3A_2 : i32
    %dma_start3A_44 = arith.constant 2560 : i32
    %dma_start3A_45 = tpu.memref_slice %arg6[%dma_start3A_44] : memref<13312xi32, #tpu.memory_space<vmem>> -> memref<512xi32, #tpu.memory_space<vmem>>
    %dma_start3A_46 = tpu.memref_slice %arg2[%add3A_43] : memref<425984xi32, #tpu.memory_space<hbm>> -> memref<512xi32, #tpu.memory_space<hbm>>
    %dma_start3A_47 = arith.constant 2560 : i32
    %dma_start3A_48 = tpu.memref_slice %arg6[%dma_start3A_47] : memref<13312xi32, #tpu.memory_space<vmem>> -> memref<512xi32, #tpu.memory_space<vmem>>
    %dma_start3A_49 = tpu.memref_slice %arg2[%add3A_43] : memref<425984xi32, #tpu.memory_space<hbm>> -> memref<512xi32, #tpu.memory_space<hbm>>
    tpu.enqueue_dma source(%dma_start3A_49 : memref<512xi32, #tpu.memory_space<hbm>>) target(%dma_start3A_48 : memref<512xi32, #tpu.memory_space<vmem>>) target_semaphore(%arg12 : memref<!tpu.dma_semaphore, #tpu.memory_space<semaphore_mem>>)
    %add3A_50 = arith.constant 98304 : i32
    %add3A_51 = arith.addi %add3A_50, %mul3A_2 : i32
    %dma_start3A_52 = arith.constant 3072 : i32
    %dma_start3A_53 = tpu.memref_slice %arg6[%dma_start3A_52] : memref<13312xi32, #tpu.memory_space<vmem>> -> memref<512xi32, #tpu.memory_space<vmem>>
    %dma_start3A_54 = tpu.memref_slice %arg2[%add3A_51] : memref<425984xi32, #tpu.memory_space<hbm>> -> memref<512xi32, #tpu.memory_space<hbm>>
    %dma_start3A_55 = arith.constant 3072 : i32
    %dma_start3A_56 = tpu.memref_slice %arg6[%dma_start3A_55] : memref<13312xi32, #tpu.memory_space<vmem>> -> memref<512xi32, #tpu.memory_space<vmem>>
    %dma_start3A_57 = tpu.memref_slice %arg2[%add3A_51] : memref<425984xi32, #tpu.memory_space<hbm>> -> memref<512xi32, #tpu.memory_space<hbm>>
    tpu.enqueue_dma source(%dma_start3A_57 : memref<512xi32, #tpu.memory_space<hbm>>) target(%dma_start3A_56 : memref<512xi32, #tpu.memory_space<vmem>>) target_semaphore(%arg12 : memref<!tpu.dma_semaphore, #tpu.memory_space<semaphore_mem>>)
    %add3A_58 = arith.constant 114688 : i32
    %add3A_59 = arith.addi %add3A_58, %mul3A_2 : i32
    %dma_start3A_60 = arith.constant 3584 : i32
    %dma_start3A_61 = tpu.memref_slice %arg6[%dma_start3A_60] : memref<13312xi32, #tpu.memory_space<vmem>> -> memref<512xi32, #tpu.memory_space<vmem>>
    %dma_start3A_62 = tpu.memref_slice %arg2[%add3A_59] : memref<425984xi32, #tpu.memory_space<hbm>> -> memref<512xi32, #tpu.memory_space<hbm>>
    %dma_start3A_63 = arith.constant 3584 : i32
    %dma_start3A_64 = tpu.memref_slice %arg6[%dma_start3A_63] : memref<13312xi32, #tpu.memory_space<vmem>> -> memref<512xi32, #tpu.memory_space<vmem>>
    %dma_start3A_65 = tpu.memref_slice %arg2[%add3A_59] : memref<425984xi32, #tpu.memory_space<hbm>> -> memref<512xi32, #tpu.memory_space<hbm>>
    tpu.enqueue_dma source(%dma_start3A_65 : memref<512xi32, #tpu.memory_space<hbm>>) target(%dma_start3A_64 : memref<512xi32, #tpu.memory_space<vmem>>) target_semaphore(%arg12 : memref<!tpu.dma_semaphore, #tpu.memory_space<semaphore_mem>>)
    %add3A_66 = arith.constant 131072 : i32
    %add3A_67 = arith.addi %add3A_66, %mul3A_2 : i32
    %dma_start3A_68 = arith.constant 4096 : i32
    %dma_start3A_69 = tpu.memref_slice %arg6[%dma_start3A_68] : memref<13312xi32, #tpu.memory_space<vmem>> -> memref<512xi32, #tpu.memory_space<vmem>>
    %dma_start3A_70 = tpu.memref_slice %arg2[%add3A_67] : memref<425984xi32, #tpu.memory_space<hbm>> -> memref<512xi32, #tpu.memory_space<hbm>>
    %dma_start3A_71 = arith.constant 4096 : i32
    %dma_start3A_72 = tpu.memref_slice %arg6[%dma_start3A_71] : memref<13312xi32, #tpu.memory_space<vmem>> -> memref<512xi32, #tpu.memory_space<vmem>>
    %dma_start3A_73 = tpu.memref_slice %arg2[%add3A_67] : memref<425984xi32, #tpu.memory_space<hbm>> -> memref<512xi32, #tpu.memory_space<hbm>>
    tpu.enqueue_dma source(%dma_start3A_73 : memref<512xi32, #tpu.memory_space<hbm>>) target(%dma_start3A_72 : memref<512xi32, #tpu.memory_space<vmem>>) target_semaphore(%arg12 : memref<!tpu.dma_semaphore, #tpu.memory_space<semaphore_mem>>)
    %add3A_74 = arith.constant 147456 : i32
    %add3A_75 = arith.addi %add3A_74, %mul3A_2 : i32
    %dma_start3A_76 = arith.constant 4608 : i32
    %dma_start3A_77 = tpu.memref_slice %arg6[%dma_start3A_76] : memref<13312xi32, #tpu.memory_space<vmem>> -> memref<512xi32, #tpu.memory_space<vmem>>
    %dma_start3A_78 = tpu.memref_slice %arg2[%add3A_75] : memref<425984xi32, #tpu.memory_space<hbm>> -> memref<512xi32, #tpu.memory_space<hbm>>
    %dma_start3A_79 = arith.constant 4608 : i32
    %dma_start3A_80 = tpu.memref_slice %arg6[%dma_start3A_79] : memref<13312xi32, #tpu.memory_space<vmem>> -> memref<512xi32, #tpu.memory_space<vmem>>
    %dma_start3A_81 = tpu.memref_slice %arg2[%add3A_75] : memref<425984xi32, #tpu.memory_space<hbm>> -> memref<512xi32, #tpu.memory_space<hbm>>
    tpu.enqueue_dma source(%dma_start3A_81 : memref<512xi32, #tpu.memory_space<hbm>>) target(%dma_start3A_80 : memref<512xi32, #tpu.memory_space<vmem>>) target_semaphore(%arg12 : memref<!tpu.dma_semaphore, #tpu.memory_space<semaphore_mem>>)
    %add3A_82 = arith.constant 163840 : i32
    %add3A_83 = arith.addi %add3A_82, %mul3A_2 : i32
    %dma_start3A_84 = arith.constant 5120 : i32
    %dma_start3A_85 = tpu.memref_slice %arg6[%dma_start3A_84] : memref<13312xi32, #tpu.memory_space<vmem>> -> memref<512xi32, #tpu.memory_space<vmem>>
    %dma_start3A_86 = tpu.memref_slice %arg2[%add3A_83] : memref<425984xi32, #tpu.memory_space<hbm>> -> memref<512xi32, #tpu.memory_space<hbm>>
    %dma_start3A_87 = arith.constant 5120 : i32
    %dma_start3A_88 = tpu.memref_slice %arg6[%dma_start3A_87] : memref<13312xi32, #tpu.memory_space<vmem>> -> memref<512xi32, #tpu.memory_space<vmem>>
    %dma_start3A_89 = tpu.memref_slice %arg2[%add3A_83] : memref<425984xi32, #tpu.memory_space<hbm>> -> memref<512xi32, #tpu.memory_space<hbm>>
    tpu.enqueue_dma source(%dma_start3A_89 : memref<512xi32, #tpu.memory_space<hbm>>) target(%dma_start3A_88 : memref<512xi32, #tpu.memory_space<vmem>>) target_semaphore(%arg12 : memref<!tpu.dma_semaphore, #tpu.memory_space<semaphore_mem>>)
    %add3A_90 = arith.constant 180224 : i32
    %add3A_91 = arith.addi %add3A_90, %mul3A_2 : i32
    %dma_start3A_92 = arith.constant 5632 : i32
    %dma_start3A_93 = tpu.memref_slice %arg6[%dma_start3A_92] : memref<13312xi32, #tpu.memory_space<vmem>> -> memref<512xi32, #tpu.memory_space<vmem>>
    %dma_start3A_94 = tpu.memref_slice %arg2[%add3A_91] : memref<425984xi32, #tpu.memory_space<hbm>> -> memref<512xi32, #tpu.memory_space<hbm>>
    %dma_start3A_95 = arith.constant 5632 : i32
    %dma_start3A_96 = tpu.memref_slice %arg6[%dma_start3A_95] : memref<13312xi32, #tpu.memory_space<vmem>> -> memref<512xi32, #tpu.memory_space<vmem>>
    %dma_start3A_97 = tpu.memref_slice %arg2[%add3A_91] : memref<425984xi32, #tpu.memory_space<hbm>> -> memref<512xi32, #tpu.memory_space<hbm>>
    tpu.enqueue_dma source(%dma_start3A_97 : memref<512xi32, #tpu.memory_space<hbm>>) target(%dma_start3A_96 : memref<512xi32, #tpu.memory_space<vmem>>) target_semaphore(%arg12 : memref<!tpu.dma_semaphore, #tpu.memory_space<semaphore_mem>>)
    %add3A_98 = arith.constant 196608 : i32
    %add3A_99 = arith.addi %add3A_98, %mul3A_2 : i32
    %dma_start3A_100 = arith.constant 6144 : i32
    %dma_start3A_101 = tpu.memref_slice %arg6[%dma_start3A_100] : memref<13312xi32, #tpu.memory_space<vmem>> -> memref<512xi32, #tpu.memory_space<vmem>>
    %dma_start3A_102 = tpu.memref_slice %arg2[%add3A_99] : memref<425984xi32, #tpu.memory_space<hbm>> -> memref<512xi32, #tpu.memory_space<hbm>>
    %dma_start3A_103 = arith.constant 6144 : i32
    %dma_start3A_104 = tpu.memref_slice %arg6[%dma_start3A_103] : memref<13312xi32, #tpu.memory_space<vmem>> -> memref<512xi32, #tpu.memory_space<vmem>>
    %dma_start3A_105 = tpu.memref_slice %arg2[%add3A_99] : memref<425984xi32, #tpu.memory_space<hbm>> -> memref<512xi32, #tpu.memory_space<hbm>>
    tpu.enqueue_dma source(%dma_start3A_105 : memref<512xi32, #tpu.memory_space<hbm>>) target(%dma_start3A_104 : memref<512xi32, #tpu.memory_space<vmem>>) target_semaphore(%arg12 : memref<!tpu.dma_semaphore, #tpu.memory_space<semaphore_mem>>)
    %add3A_106 = arith.constant 212992 : i32
    %add3A_107 = arith.addi %add3A_106, %mul3A_2 : i32
    %dma_start3A_108 = arith.constant 6656 : i32
    %dma_start3A_109 = tpu.memref_slice %arg6[%dma_start3A_108] : memref<13312xi32, #tpu.memory_space<vmem>> -> memref<512xi32, #tpu.memory_space<vmem>>
    %dma_start3A_110 = tpu.memref_slice %arg2[%add3A_107] : memref<425984xi32, #tpu.memory_space<hbm>> -> memref<512xi32, #tpu.memory_space<hbm>>
    %dma_start3A_111 = arith.constant 6656 : i32
    %dma_start3A_112 = tpu.memref_slice %arg6[%dma_start3A_111] : memref<13312xi32, #tpu.memory_space<vmem>> -> memref<512xi32, #tpu.memory_space<vmem>>
    %dma_start3A_113 = tpu.memref_slice %arg2[%add3A_107] : memref<425984xi32, #tpu.memory_space<hbm>> -> memref<512xi32, #tpu.memory_space<hbm>>
    tpu.enqueue_dma source(%dma_start3A_113 : memref<512xi32, #tpu.memory_space<hbm>>) target(%dma_start3A_112 : memref<512xi32, #tpu.memory_space<vmem>>) target_semaphore(%arg12 : memref<!tpu.dma_semaphore, #tpu.memory_space<semaphore_mem>>)
    %add3A_114 = arith.constant 229376 : i32
    %add3A_115 = arith.addi %add3A_114, %mul3A_2 : i32
    %dma_start3A_116 = arith.constant 7168 : i32
    %dma_start3A_117 = tpu.memref_slice %arg6[%dma_start3A_116] : memref<13312xi32, #tpu.memory_space<vmem>> -> memref<512xi32, #tpu.memory_space<vmem>>
    %dma_start3A_118 = tpu.memref_slice %arg2[%add3A_115] : memref<425984xi32, #tpu.memory_space<hbm>> -> memref<512xi32, #tpu.memory_space<hbm>>
    %dma_start3A_119 = arith.constant 7168 : i32
    %dma_start3A_120 = tpu.memref_slice %arg6[%dma_start3A_119] : memref<13312xi32, #tpu.memory_space<vmem>> -> memref<512xi32, #tpu.memory_space<vmem>>
    %dma_start3A_121 = tpu.memref_slice %arg2[%add3A_115] : memref<425984xi32, #tpu.memory_space<hbm>> -> memref<512xi32, #tpu.memory_space<hbm>>
    tpu.enqueue_dma source(%dma_start3A_121 : memref<512xi32, #tpu.memory_space<hbm>>) target(%dma_start3A_120 : memref<512xi32, #tpu.memory_space<vmem>>) target_semaphore(%arg12 : memref<!tpu.dma_semaphore, #tpu.memory_space<semaphore_mem>>)
    %add3A_122 = arith.constant 245760 : i32
    %add3A_123 = arith.addi %add3A_122, %mul3A_2 : i32
    %dma_start3A_124 = arith.constant 7680 : i32
    %dma_start3A_125 = tpu.memref_slice %arg6[%dma_start3A_124] : memref<13312xi32, #tpu.memory_space<vmem>> -> memref<512xi32, #tpu.memory_space<vmem>>
    %dma_start3A_126 = tpu.memref_slice %arg2[%add3A_123] : memref<425984xi32, #tpu.memory_space<hbm>> -> memref<512xi32, #tpu.memory_space<hbm>>
    %dma_start3A_127 = arith.constant 7680 : i32
    %dma_start3A_128 = tpu.memref_slice %arg6[%dma_start3A_127] : memref<13312xi32, #tpu.memory_space<vmem>> -> memref<512xi32, #tpu.memory_space<vmem>>
    %dma_start3A_129 = tpu.memref_slice %arg2[%add3A_123] : memref<425984xi32, #tpu.memory_space<hbm>> -> memref<512xi32, #tpu.memory_space<hbm>>
    tpu.enqueue_dma source(%dma_start3A_129 : memref<512xi32, #tpu.memory_space<hbm>>) target(%dma_start3A_128 : memref<512xi32, #tpu.memory_space<vmem>>) target_semaphore(%arg12 : memref<!tpu.dma_semaphore, #tpu.memory_space<semaphore_mem>>)
    %add3A_130 = arith.constant 262144 : i32
    %add3A_131 = arith.addi %add3A_130, %mul3A_2 : i32
    %dma_start3A_132 = arith.constant 8192 : i32
    %dma_start3A_133 = tpu.memref_slice %arg6[%dma_start3A_132] : memref<13312xi32, #tpu.memory_space<vmem>> -> memref<512xi32, #tpu.memory_space<vmem>>
    %dma_start3A_134 = tpu.memref_slice %arg2[%add3A_131] : memref<425984xi32, #tpu.memory_space<hbm>> -> memref<512xi32, #tpu.memory_space<hbm>>
    %dma_start3A_135 = arith.constant 8192 : i32
    %dma_start3A_136 = tpu.memref_slice %arg6[%dma_start3A_135] : memref<13312xi32, #tpu.memory_space<vmem>> -> memref<512xi32, #tpu.memory_space<vmem>>
    %dma_start3A_137 = tpu.memref_slice %arg2[%add3A_131] : memref<425984xi32, #tpu.memory_space<hbm>> -> memref<512xi32, #tpu.memory_space<hbm>>
    tpu.enqueue_dma source(%dma_start3A_137 : memref<512xi32, #tpu.memory_space<hbm>>) target(%dma_start3A_136 : memref<512xi32, #tpu.memory_space<vmem>>) target_semaphore(%arg12 : memref<!tpu.dma_semaphore, #tpu.memory_space<semaphore_mem>>)
    %add3A_138 = arith.constant 278528 : i32
    %add3A_139 = arith.addi %add3A_138, %mul3A_2 : i32
    %dma_start3A_140 = arith.constant 8704 : i32
    %dma_start3A_141 = tpu.memref_slice %arg6[%dma_start3A_140] : memref<13312xi32, #tpu.memory_space<vmem>> -> memref<512xi32, #tpu.memory_space<vmem>>
    %dma_start3A_142 = tpu.memref_slice %arg2[%add3A_139] : memref<425984xi32, #tpu.memory_space<hbm>> -> memref<512xi32, #tpu.memory_space<hbm>>
    %dma_start3A_143 = arith.constant 8704 : i32
    %dma_start3A_144 = tpu.memref_slice %arg6[%dma_start3A_143] : memref<13312xi32, #tpu.memory_space<vmem>> -> memref<512xi32, #tpu.memory_space<vmem>>
    %dma_start3A_145 = tpu.memref_slice %arg2[%add3A_139] : memref<425984xi32, #tpu.memory_space<hbm>> -> memref<512xi32, #tpu.memory_space<hbm>>
    tpu.enqueue_dma source(%dma_start3A_145 : memref<512xi32, #tpu.memory_space<hbm>>) target(%dma_start3A_144 : memref<512xi32, #tpu.memory_space<vmem>>) target_semaphore(%arg12 : memref<!tpu.dma_semaphore, #tpu.memory_space<semaphore_mem>>)
    %add3A_146 = arith.constant 294912 : i32
    %add3A_147 = arith.addi %add3A_146, %mul3A_2 : i32
    %dma_start3A_148 = arith.constant 9216 : i32
    %dma_start3A_149 = tpu.memref_slice %arg6[%dma_start3A_148] : memref<13312xi32, #tpu.memory_space<vmem>> -> memref<512xi32, #tpu.memory_space<vmem>>
    %dma_start3A_150 = tpu.memref_slice %arg2[%add3A_147] : memref<425984xi32, #tpu.memory_space<hbm>> -> memref<512xi32, #tpu.memory_space<hbm>>
    %dma_start3A_151 = arith.constant 9216 : i32
    %dma_start3A_152 = tpu.memref_slice %arg6[%dma_start3A_151] : memref<13312xi32, #tpu.memory_space<vmem>> -> memref<512xi32, #tpu.memory_space<vmem>>
    %dma_start3A_153 = tpu.memref_slice %arg2[%add3A_147] : memref<425984xi32, #tpu.memory_space<hbm>> -> memref<512xi32, #tpu.memory_space<hbm>>
    tpu.enqueue_dma source(%dma_start3A_153 : memref<512xi32, #tpu.memory_space<hbm>>) target(%dma_start3A_152 : memref<512xi32, #tpu.memory_space<vmem>>) target_semaphore(%arg12 : memref<!tpu.dma_semaphore, #tpu.memory_space<semaphore_mem>>)
    %add3A_154 = arith.constant 311296 : i32
    %add3A_155 = arith.addi %add3A_154, %mul3A_2 : i32
    %dma_start3A_156 = arith.constant 9728 : i32
    %dma_start3A_157 = tpu.memref_slice %arg6[%dma_start3A_156] : memref<13312xi32, #tpu.memory_space<vmem>> -> memref<512xi32, #tpu.memory_space<vmem>>
    %dma_start3A_158 = tpu.memref_slice %arg2[%add3A_155] : memref<425984xi32, #tpu.memory_space<hbm>> -> memref<512xi32, #tpu.memory_space<hbm>>
    %dma_start3A_159 = arith.constant 9728 : i32
    %dma_start3A_160 = tpu.memref_slice %arg6[%dma_start3A_159] : memref<13312xi32, #tpu.memory_space<vmem>> -> memref<512xi32, #tpu.memory_space<vmem>>
    %dma_start3A_161 = tpu.memref_slice %arg2[%add3A_155] : memref<425984xi32, #tpu.memory_space<hbm>> -> memref<512xi32, #tpu.memory_space<hbm>>
    tpu.enqueue_dma source(%dma_start3A_161 : memref<512xi32, #tpu.memory_space<hbm>>) target(%dma_start3A_160 : memref<512xi32, #tpu.memory_space<vmem>>) target_semaphore(%arg12 : memref<!tpu.dma_semaphore, #tpu.memory_space<semaphore_mem>>)
    %add3A_162 = arith.constant 327680 : i32
    %add3A_163 = arith.addi %add3A_162, %mul3A_2 : i32
    %dma_start3A_164 = arith.constant 10240 : i32
    %dma_start3A_165 = tpu.memref_slice %arg6[%dma_start3A_164] : memref<13312xi32, #tpu.memory_space<vmem>> -> memref<512xi32, #tpu.memory_space<vmem>>
    %dma_start3A_166 = tpu.memref_slice %arg2[%add3A_163] : memref<425984xi32, #tpu.memory_space<hbm>> -> memref<512xi32, #tpu.memory_space<hbm>>
    %dma_start3A_167 = arith.constant 10240 : i32
    %dma_start3A_168 = tpu.memref_slice %arg6[%dma_start3A_167] : memref<13312xi32, #tpu.memory_space<vmem>> -> memref<512xi32, #tpu.memory_space<vmem>>
    %dma_start3A_169 = tpu.memref_slice %arg2[%add3A_163] : memref<425984xi32, #tpu.memory_space<hbm>> -> memref<512xi32, #tpu.memory_space<hbm>>
    tpu.enqueue_dma source(%dma_start3A_169 : memref<512xi32, #tpu.memory_space<hbm>>) target(%dma_start3A_168 : memref<512xi32, #tpu.memory_space<vmem>>) target_semaphore(%arg12 : memref<!tpu.dma_semaphore, #tpu.memory_space<semaphore_mem>>)
    %add3A_170 = arith.constant 344064 : i32
    %add3A_171 = arith.addi %add3A_170, %mul3A_2 : i32
    %dma_start3A_172 = arith.constant 10752 : i32
    %dma_start3A_173 = tpu.memref_slice %arg6[%dma_start3A_172] : memref<13312xi32, #tpu.memory_space<vmem>> -> memref<512xi32, #tpu.memory_space<vmem>>
    %dma_start3A_174 = tpu.memref_slice %arg2[%add3A_171] : memref<425984xi32, #tpu.memory_space<hbm>> -> memref<512xi32, #tpu.memory_space<hbm>>
    %dma_start3A_175 = arith.constant 10752 : i32
    %dma_start3A_176 = tpu.memref_slice %arg6[%dma_start3A_175] : memref<13312xi32, #tpu.memory_space<vmem>> -> memref<512xi32, #tpu.memory_space<vmem>>
    %dma_start3A_177 = tpu.memref_slice %arg2[%add3A_171] : memref<425984xi32, #tpu.memory_space<hbm>> -> memref<512xi32, #tpu.memory_space<hbm>>
    tpu.enqueue_dma source(%dma_start3A_177 : memref<512xi32, #tpu.memory_space<hbm>>) target(%dma_start3A_176 : memref<512xi32, #tpu.memory_space<vmem>>) target_semaphore(%arg12 : memref<!tpu.dma_semaphore, #tpu.memory_space<semaphore_mem>>)
    %add3A_178 = arith.constant 360448 : i32
    %add3A_179 = arith.addi %add3A_178, %mul3A_2 : i32
    %dma_start3A_180 = arith.constant 11264 : i32
    %dma_start3A_181 = tpu.memref_slice %arg6[%dma_start3A_180] : memref<13312xi32, #tpu.memory_space<vmem>> -> memref<512xi32, #tpu.memory_space<vmem>>
    %dma_start3A_182 = tpu.memref_slice %arg2[%add3A_179] : memref<425984xi32, #tpu.memory_space<hbm>> -> memref<512xi32, #tpu.memory_space<hbm>>
    %dma_start3A_183 = arith.constant 11264 : i32
    %dma_start3A_184 = tpu.memref_slice %arg6[%dma_start3A_183] : memref<13312xi32, #tpu.memory_space<vmem>> -> memref<512xi32, #tpu.memory_space<vmem>>
    %dma_start3A_185 = tpu.memref_slice %arg2[%add3A_179] : memref<425984xi32, #tpu.memory_space<hbm>> -> memref<512xi32, #tpu.memory_space<hbm>>
    tpu.enqueue_dma source(%dma_start3A_185 : memref<512xi32, #tpu.memory_space<hbm>>) target(%dma_start3A_184 : memref<512xi32, #tpu.memory_space<vmem>>) target_semaphore(%arg12 : memref<!tpu.dma_semaphore, #tpu.memory_space<semaphore_mem>>)
    %add3A_186 = arith.constant 376832 : i32
    %add3A_187 = arith.addi %add3A_186, %mul3A_2 : i32
    %dma_start3A_188 = arith.constant 11776 : i32
    %dma_start3A_189 = tpu.memref_slice %arg6[%dma_start3A_188] : memref<13312xi32, #tpu.memory_space<vmem>> -> memref<512xi32, #tpu.memory_space<vmem>>
    %dma_start3A_190 = tpu.memref_slice %arg2[%add3A_187] : memref<425984xi32, #tpu.memory_space<hbm>> -> memref<512xi32, #tpu.memory_space<hbm>>
    %dma_start3A_191 = arith.constant 11776 : i32
    %dma_start3A_192 = tpu.memref_slice %arg6[%dma_start3A_191] : memref<13312xi32, #tpu.memory_space<vmem>> -> memref<512xi32, #tpu.memory_space<vmem>>
    %dma_start3A_193 = tpu.memref_slice %arg2[%add3A_187] : memref<425984xi32, #tpu.memory_space<hbm>> -> memref<512xi32, #tpu.memory_space<hbm>>
    tpu.enqueue_dma source(%dma_start3A_193 : memref<512xi32, #tpu.memory_space<hbm>>) target(%dma_start3A_192 : memref<512xi32, #tpu.memory_space<vmem>>) target_semaphore(%arg12 : memref<!tpu.dma_semaphore, #tpu.memory_space<semaphore_mem>>)
    %add3A_194 = arith.constant 393216 : i32
    %add3A_195 = arith.addi %add3A_194, %mul3A_2 : i32
    %dma_start3A_196 = arith.constant 12288 : i32
    %dma_start3A_197 = tpu.memref_slice %arg6[%dma_start3A_196] : memref<13312xi32, #tpu.memory_space<vmem>> -> memref<512xi32, #tpu.memory_space<vmem>>
    %dma_start3A_198 = tpu.memref_slice %arg2[%add3A_195] : memref<425984xi32, #tpu.memory_space<hbm>> -> memref<512xi32, #tpu.memory_space<hbm>>
    %dma_start3A_199 = arith.constant 12288 : i32
    %dma_start3A_200 = tpu.memref_slice %arg6[%dma_start3A_199] : memref<13312xi32, #tpu.memory_space<vmem>> -> memref<512xi32, #tpu.memory_space<vmem>>
    %dma_start3A_201 = tpu.memref_slice %arg2[%add3A_195] : memref<425984xi32, #tpu.memory_space<hbm>> -> memref<512xi32, #tpu.memory_space<hbm>>
    tpu.enqueue_dma source(%dma_start3A_201 : memref<512xi32, #tpu.memory_space<hbm>>) target(%dma_start3A_200 : memref<512xi32, #tpu.memory_space<vmem>>) target_semaphore(%arg12 : memref<!tpu.dma_semaphore, #tpu.memory_space<semaphore_mem>>)
    %add3A_202 = arith.constant 409600 : i32
    %add3A_203 = arith.addi %add3A_202, %mul3A_2 : i32
    %dma_start3A_204 = arith.constant 12800 : i32
    %dma_start3A_205 = tpu.memref_slice %arg6[%dma_start3A_204] : memref<13312xi32, #tpu.memory_space<vmem>> -> memref<512xi32, #tpu.memory_space<vmem>>
    %dma_start3A_206 = tpu.memref_slice %arg2[%add3A_203] : memref<425984xi32, #tpu.memory_space<hbm>> -> memref<512xi32, #tpu.memory_space<hbm>>
    %dma_start3A_207 = arith.constant 12800 : i32
    %dma_start3A_208 = tpu.memref_slice %arg6[%dma_start3A_207] : memref<13312xi32, #tpu.memory_space<vmem>> -> memref<512xi32, #tpu.memory_space<vmem>>
    %dma_start3A_209 = tpu.memref_slice %arg2[%add3A_203] : memref<425984xi32, #tpu.memory_space<hbm>> -> memref<512xi32, #tpu.memory_space<hbm>>
    tpu.enqueue_dma source(%dma_start3A_209 : memref<512xi32, #tpu.memory_space<hbm>>) target(%dma_start3A_208 : memref<512xi32, #tpu.memory_space<vmem>>) target_semaphore(%arg12 : memref<!tpu.dma_semaphore, #tpu.memory_space<semaphore_mem>>)
    %scan3A = arith.constant 0 : i32
    %scan3A_210 = arith.constant 0 : i32
    %scan3A_211 = arith.constant 0 : i32
    %scan3A_212 = arith.constant 26 : i32
    %scan3A_213 = arith.addi %scan3A_211, %scan3A_212 : i32
    %scan3A_214 = arith.constant 1 : i32
    %scan3A_215 = scf.for %scan3A_234 = %scan3A_211 to %scan3A_213 step %scan3A_214 iter_args(%scan3A_235 = %scan3A_210) -> (i32)  : i32 {
      %mul3A_236 = arith.constant 512 : i32
      %mul3A_237 = arith.muli %scan3A_234, %mul3A_236 : i32
      %mul3A_238 = arith.constant 16384 : i32
      %mul3A_239 = arith.muli %scan3A_234, %mul3A_238 : i32
      %add3A_240 = arith.addi %mul3A_239, %mul3A_2 : i32
      %dma_wait3A = tpu.memref_slice %arg6[%mul3A_237] : memref<13312xi32, #tpu.memory_space<vmem>> -> memref<512xi32, #tpu.memory_space<vmem>>
      %dma_wait3A_241 = tpu.memref_slice %arg2[%add3A_240] : memref<425984xi32, #tpu.memory_space<hbm>> -> memref<512xi32, #tpu.memory_space<hbm>>
      %dma_wait3A_242 = tpu.memref_slice %arg6[%mul3A_237] : memref<13312xi32, #tpu.memory_space<vmem>> -> memref<512xi32, #tpu.memory_space<vmem>>
      %dma_wait3A_243 = tpu.memref_slice %arg2[%add3A_240] : memref<425984xi32, #tpu.memory_space<hbm>> -> memref<512xi32, #tpu.memory_space<hbm>>
      tpu.wait_dma2 semaphore(%arg12 : memref<!tpu.dma_semaphore, #tpu.memory_space<semaphore_mem>>) src(%dma_wait3A_243 : memref<512xi32, #tpu.memory_space<hbm>>) dst(%dma_wait3A_242 : memref<512xi32, #tpu.memory_space<vmem>>)
      %scan3A_244 = arith.constant 0 : i32
      %scan3A_245 = arith.constant 0 : i32
      %scan3A_246 = arith.constant 32 : i32
      %scan3A_247 = arith.addi %scan3A_245, %scan3A_246 : i32
      %scan3A_248 = arith.constant 8 : i32
      %scan3A_249 = scf.for %scan3A_259 = %scan3A_245 to %scan3A_247 step %scan3A_248 iter_args(%scan3A_260 = %scan3A_244) -> (i32)  : i32 {
        %mul3A_261 = arith.constant 16 : i32
        %mul3A_262 = arith.muli %scan3A_259, %mul3A_261 : i32
        %add3A_263 = arith.addi %mul3A_237, %mul3A_262 : i32
        %get3A_264 = arith.index_cast %add3A_263 : i32 to index
        %get3A_265 = tpu.vector_load %arg6[%get3A_264] {strides = array<i32>} : memref<13312xi32, #tpu.memory_space<vmem>>, vector<16xi32>,
        %get3A_266 = vector.shape_cast %get3A_265 : vector<16xi32> to vector<16xi32>
        %mul3A_267 = arith.constant 40000 : i32
        %mul3A_268 = arith.muli %scan3A_234, %mul3A_267 : i32
        %add3A_269 = vector.broadcast %mul3A_268 : i32 to vector<16xi32>
        %add3A_270 = arith.addi %get3A_266, %add3A_269 : vector<16xi32>
        %swap3A = arith.index_cast %add3A_263 : i32 to index
        %swap3A_271 = tpu.vector_load %arg7[%swap3A] {strides = array<i32>} : memref<13312xi32, #tpu.memory_space<vmem>>, vector<16xi32>,
        %swap3A_272 = vector.shape_cast %swap3A_271 : vector<16xi32> to vector<16xi32>
        %swap3A_273 = vector.shape_cast %add3A_270 : vector<16xi32> to vector<16xi32>
        tpu.vector_store %arg7[%swap3A], %swap3A_273 {strides = array<i32>} : memref<13312xi32, #tpu.memory_space<vmem>>, vector<16xi32>,
        %scan3A_274 = arith.constant 0 : i32
        %scan3A_275 = arith.constant 1 : i32
        %scan3A_276 = arith.addi %scan3A_259, %scan3A_275 : i32
        %mul3A_277 = arith.constant 16 : i32
        %mul3A_278 = arith.muli %scan3A_276, %mul3A_277 : i32
        %add3A_279 = arith.addi %mul3A_237, %mul3A_278 : i32
        %get3A_280 = arith.index_cast %add3A_279 : i32 to index
        %get3A_281 = tpu.vector_load %arg6[%get3A_280] {strides = array<i32>} : memref<13312xi32, #tpu.memory_space<vmem>>, vector<16xi32>,
        %get3A_282 = vector.shape_cast %get3A_281 : vector<16xi32> to vector<16xi32>
        %mul3A_283 = arith.constant 40000 : i32
        %mul3A_284 = arith.muli %scan3A_234, %mul3A_283 : i32
        %add3A_285 = vector.broadcast %mul3A_284 : i32 to vector<16xi32>
        %add3A_286 = arith.addi %get3A_282, %add3A_285 : vector<16xi32>
        %swap3A_287 = arith.index_cast %add3A_279 : i32 to index
        %swap3A_288 = tpu.vector_load %arg7[%swap3A_287] {strides = array<i32>} : memref<13312xi32, #tpu.memory_space<vmem>>, vector<16xi32>,
        %swap3A_289 = vector.shape_cast %swap3A_288 : vector<16xi32> to vector<16xi32>
        %swap3A_290 = vector.shape_cast %add3A_286 : vector<16xi32> to vector<16xi32>
        tpu.vector_store %arg7[%swap3A_287], %swap3A_290 {strides = array<i32>} : memref<13312xi32, #tpu.memory_space<vmem>>, vector<16xi32>,
        %scan3A_291 = arith.constant 0 : i32
        %scan3A_292 = arith.constant 2 : i32
        %scan3A_293 = arith.addi %scan3A_259, %scan3A_292 : i32
        %mul3A_294 = arith.constant 16 : i32
        %mul3A_295 = arith.muli %scan3A_293, %mul3A_294 : i32
        %add3A_296 = arith.addi %mul3A_237, %mul3A_295 : i32
        %get3A_297 = arith.index_cast %add3A_296 : i32 to index
        %get3A_298 = tpu.vector_load %arg6[%get3A_297] {strides = array<i32>} : memref<13312xi32, #tpu.memory_space<vmem>>, vector<16xi32>,
        %get3A_299 = vector.shape_cast %get3A_298 : vector<16xi32> to vector<16xi32>
        %mul3A_300 = arith.constant 40000 : i32
        %mul3A_301 = arith.muli %scan3A_234, %mul3A_300 : i32
        %add3A_302 = vector.broadcast %mul3A_301 : i32 to vector<16xi32>
        %add3A_303 = arith.addi %get3A_299, %add3A_302 : vector<16xi32>
        %swap3A_304 = arith.index_cast %add3A_296 : i32 to index
        %swap3A_305 = tpu.vector_load %arg7[%swap3A_304] {strides = array<i32>} : memref<13312xi32, #tpu.memory_space<vmem>>, vector<16xi32>,
        %swap3A_306 = vector.shape_cast %swap3A_305 : vector<16xi32> to vector<16xi32>
        %swap3A_307 = vector.shape_cast %add3A_303 : vector<16xi32> to vector<16xi32>
        tpu.vector_store %arg7[%swap3A_304], %swap3A_307 {strides = array<i32>} : memref<13312xi32, #tpu.memory_space<vmem>>, vector<16xi32>,
        %scan3A_308 = arith.constant 0 : i32
        %scan3A_309 = arith.constant 3 : i32
        %scan3A_310 = arith.addi %scan3A_259, %scan3A_309 : i32
        %mul3A_311 = arith.constant 16 : i32
        %mul3A_312 = arith.muli %scan3A_310, %mul3A_311 : i32
        %add3A_313 = arith.addi %mul3A_237, %mul3A_312 : i32
        %get3A_314 = arith.index_cast %add3A_313 : i32 to index
        %get3A_315 = tpu.vector_load %arg6[%get3A_314] {strides = array<i32>} : memref<13312xi32, #tpu.memory_space<vmem>>, vector<16xi32>,
        %get3A_316 = vector.shape_cast %get3A_315 : vector<16xi32> to vector<16xi32>
        %mul3A_317 = arith.constant 40000 : i32
        %mul3A_318 = arith.muli %scan3A_234, %mul3A_317 : i32
        %add3A_319 = vector.broadcast %mul3A_318 : i32 to vector<16xi32>
        %add3A_320 = arith.addi %get3A_316, %add3A_319 : vector<16xi32>
        %swap3A_321 = arith.index_cast %add3A_313 : i32 to index
        %swap3A_322 = tpu.vector_load %arg7[%swap3A_321] {strides = array<i32>} : memref<13312xi32, #tpu.memory_space<vmem>>, vector<16xi32>,
        %swap3A_323 = vector.shape_cast %swap3A_322 : vector<16xi32> to vector<16xi32>
        %swap3A_324 = vector.shape_cast %add3A_320 : vector<16xi32> to vector<16xi32>
        tpu.vector_store %arg7[%swap3A_321], %swap3A_324 {strides = array<i32>} : memref<13312xi32, #tpu.memory_space<vmem>>, vector<16xi32>,
        %scan3A_325 = arith.constant 0 : i32
        %scan3A_326 = arith.constant 4 : i32
        %scan3A_327 = arith.addi %scan3A_259, %scan3A_326 : i32
        %mul3A_328 = arith.constant 16 : i32
        %mul3A_329 = arith.muli %scan3A_327, %mul3A_328 : i32
        %add3A_330 = arith.addi %mul3A_237, %mul3A_329 : i32
        %get3A_331 = arith.index_cast %add3A_330 : i32 to index
        %get3A_332 = tpu.vector_load %arg6[%get3A_331] {strides = array<i32>} : memref<13312xi32, #tpu.memory_space<vmem>>, vector<16xi32>,
        %get3A_333 = vector.shape_cast %get3A_332 : vector<16xi32> to vector<16xi32>
        %mul3A_334 = arith.constant 40000 : i32
        %mul3A_335 = arith.muli %scan3A_234, %mul3A_334 : i32
        %add3A_336 = vector.broadcast %mul3A_335 : i32 to vector<16xi32>
        %add3A_337 = arith.addi %get3A_333, %add3A_336 : vector<16xi32>
        %swap3A_338 = arith.index_cast %add3A_330 : i32 to index
        %swap3A_339 = tpu.vector_load %arg7[%swap3A_338] {strides = array<i32>} : memref<13312xi32, #tpu.memory_space<vmem>>, vector<16xi32>,
        %swap3A_340 = vector.shape_cast %swap3A_339 : vector<16xi32> to vector<16xi32>
        %swap3A_341 = vector.shape_cast %add3A_337 : vector<16xi32> to vector<16xi32>
        tpu.vector_store %arg7[%swap3A_338], %swap3A_341 {strides = array<i32>} : memref<13312xi32, #tpu.memory_space<vmem>>, vector<16xi32>,
        %scan3A_342 = arith.constant 0 : i32
        %scan3A_343 = arith.constant 5 : i32
        %scan3A_344 = arith.addi %scan3A_259, %scan3A_343 : i32
        %mul3A_345 = arith.constant 16 : i32
        %mul3A_346 = arith.muli %scan3A_344, %mul3A_345 : i32
        %add3A_347 = arith.addi %mul3A_237, %mul3A_346 : i32
        %get3A_348 = arith.index_cast %add3A_347 : i32 to index
        %get3A_349 = tpu.vector_load %arg6[%get3A_348] {strides = array<i32>} : memref<13312xi32, #tpu.memory_space<vmem>>, vector<16xi32>,
        %get3A_350 = vector.shape_cast %get3A_349 : vector<16xi32> to vector<16xi32>
        %mul3A_351 = arith.constant 40000 : i32
        %mul3A_352 = arith.muli %scan3A_234, %mul3A_351 : i32
        %add3A_353 = vector.broadcast %mul3A_352 : i32 to vector<16xi32>
        %add3A_354 = arith.addi %get3A_350, %add3A_353 : vector<16xi32>
        %swap3A_355 = arith.index_cast %add3A_347 : i32 to index
        %swap3A_356 = tpu.vector_load %arg7[%swap3A_355] {strides = array<i32>} : memref<13312xi32, #tpu.memory_space<vmem>>, vector<16xi32>,
        %swap3A_357 = vector.shape_cast %swap3A_356 : vector<16xi32> to vector<16xi32>
        %swap3A_358 = vector.shape_cast %add3A_354 : vector<16xi32> to vector<16xi32>
        tpu.vector_store %arg7[%swap3A_355], %swap3A_358 {strides = array<i32>} : memref<13312xi32, #tpu.memory_space<vmem>>, vector<16xi32>,
        %scan3A_359 = arith.constant 0 : i32
        %scan3A_360 = arith.constant 6 : i32
        %scan3A_361 = arith.addi %scan3A_259, %scan3A_360 : i32
        %mul3A_362 = arith.constant 16 : i32
        %mul3A_363 = arith.muli %scan3A_361, %mul3A_362 : i32
        %add3A_364 = arith.addi %mul3A_237, %mul3A_363 : i32
        %get3A_365 = arith.index_cast %add3A_364 : i32 to index
        %get3A_366 = tpu.vector_load %arg6[%get3A_365] {strides = array<i32>} : memref<13312xi32, #tpu.memory_space<vmem>>, vector<16xi32>,
        %get3A_367 = vector.shape_cast %get3A_366 : vector<16xi32> to vector<16xi32>
        %mul3A_368 = arith.constant 40000 : i32
        %mul3A_369 = arith.muli %scan3A_234, %mul3A_368 : i32
        %add3A_370 = vector.broadcast %mul3A_369 : i32 to vector<16xi32>
        %add3A_371 = arith.addi %get3A_367, %add3A_370 : vector<16xi32>
        %swap3A_372 = arith.index_cast %add3A_364 : i32 to index
        %swap3A_373 = tpu.vector_load %arg7[%swap3A_372] {strides = array<i32>} : memref<13312xi32, #tpu.memory_space<vmem>>, vector<16xi32>,
        %swap3A_374 = vector.shape_cast %swap3A_373 : vector<16xi32> to vector<16xi32>
        %swap3A_375 = vector.shape_cast %add3A_371 : vector<16xi32> to vector<16xi32>
        tpu.vector_store %arg7[%swap3A_372], %swap3A_375 {strides = array<i32>} : memref<13312xi32, #tpu.memory_space<vmem>>, vector<16xi32>,
        %scan3A_376 = arith.constant 0 : i32
        %scan3A_377 = arith.constant 7 : i32
        %scan3A_378 = arith.addi %scan3A_259, %scan3A_377 : i32
        %mul3A_379 = arith.constant 16 : i32
        %mul3A_380 = arith.muli %scan3A_378, %mul3A_379 : i32
        %add3A_381 = arith.addi %mul3A_237, %mul3A_380 : i32
        %get3A_382 = arith.index_cast %add3A_381 : i32 to index
        %get3A_383 = tpu.vector_load %arg6[%get3A_382] {strides = array<i32>} : memref<13312xi32, #tpu.memory_space<vmem>>, vector<16xi32>,
        %get3A_384 = vector.shape_cast %get3A_383 : vector<16xi32> to vector<16xi32>
        %mul3A_385 = arith.constant 40000 : i32
        %mul3A_386 = arith.muli %scan3A_234, %mul3A_385 : i32
        %add3A_387 = vector.broadcast %mul3A_386 : i32 to vector<16xi32>
        %add3A_388 = arith.addi %get3A_384, %add3A_387 : vector<16xi32>
        %swap3A_389 = arith.index_cast %add3A_381 : i32 to index
        %swap3A_390 = tpu.vector_load %arg7[%swap3A_389] {strides = array<i32>} : memref<13312xi32, #tpu.memory_space<vmem>>, vector<16xi32>,
        %swap3A_391 = vector.shape_cast %swap3A_390 : vector<16xi32> to vector<16xi32>
        %swap3A_392 = vector.shape_cast %add3A_388 : vector<16xi32> to vector<16xi32>
        tpu.vector_store %arg7[%swap3A_389], %swap3A_392 {strides = array<i32>} : memref<13312xi32, #tpu.memory_space<vmem>>, vector<16xi32>,
        %scan3A_393 = arith.constant 0 : i32
        scf.yield %scan3A_393 : i32
      }
      %scan3A_250 = arith.constant 32 : i32
      %dma_start3A_251 = tpu.memref_slice %arg8[%mul3A_237] : memref<13312xf32, #tpu.memory_space<vmem>> -> memref<512xf32, #tpu.memory_space<vmem>>
      %dma_start3A_252 = tpu.memref_slice %arg7[%mul3A_237] : memref<13312xi32, #tpu.memory_space<vmem>> -> memref<512xi32, #tpu.memory_space<vmem>>
      %dma_start3A_253 = arith.constant 0 : i32
      %dma_start3A_254 = tpu.memref_slice %arg3[%scan3A, %dma_start3A_253] : memref<1x1040000xf32, #tpu.memory_space<hbm>> -> memref<1x1040000xf32, #tpu.memory_space<hbm>>
      %dma_start3A_255 = tpu.memref_squeeze %dma_start3A_254 : memref<1x1040000xf32, #tpu.memory_space<hbm>> -> memref<1040000xf32, #tpu.memory_space<hbm>>
      %dma_start3A_256 = arith.constant 0 : i32
      %dma_start3A_257 = tpu.memref_slice %dma_start3A_255[%dma_start3A_256] : memref<1040000xf32, #tpu.memory_space<hbm>> -> memref<1040000xf32, #tpu.memory_space<hbm>>
      tpu.enqueue_indirect_dma source(%dma_start3A_257 : memref<1040000xf32, #tpu.memory_space<hbm>>) target(%dma_start3A_251 : memref<512xf32, #tpu.memory_space<vmem>>) offsets(%dma_start3A_252 : memref<512xi32, #tpu.memory_space<vmem>>) semaphore(%arg11 : memref<!tpu.dma_semaphore, #tpu.memory_space<semaphore_mem>>)
      %scan3A_258 = arith.constant 0 : i32
      scf.yield %scan3A_258 : i32
    }
    %scan3A_216 = arith.constant 26 : i32
    "tpu.region"() ({
      %run_scoped3A_234 = tpu.sem_alloc : memref<!tpu.dma_semaphore, #tpu.memory_space<semaphore_mem>>
      tpu.enqueue_dma source(%arg4 : memref<16xf32, #tpu.memory_space<hbm>>) target(%arg10 : memref<16xf32, #tpu.memory_space<vmem>>) target_semaphore(%run_scoped3A_234 : memref<!tpu.dma_semaphore, #tpu.memory_space<semaphore_mem>>)
      tpu.wait_dma2 semaphore(%run_scoped3A_234 : memref<!tpu.dma_semaphore, #tpu.memory_space<semaphore_mem>>) src(%arg4 : memref<16xf32, #tpu.memory_space<hbm>>) dst(%arg10 : memref<16xf32, #tpu.memory_space<vmem>>)
      tpu.yield
    }) : () -> ()
    %get3A = arith.constant 0 : index
    %get3A_217 = tpu.vector_load %arg10[%get3A] {strides = array<i32>} : memref<16xf32, #tpu.memory_space<vmem>>, vector<16xf32>,
    %get3A_218 = vector.shape_cast %get3A_217 : vector<16xf32> to vector<16xf32>
    %scan3A_219 = arith.constant 0 : i32
    %scan3A_220 = arith.constant 0 : i32
    %scan3A_221 = arith.constant 32 : i32
    %scan3A_222 = arith.addi %scan3A_220, %scan3A_221 : i32
    %scan3A_223 = arith.constant 8 : i32
    %scan3A_224 = scf.for %scan3A_234 = %scan3A_220 to %scan3A_222 step %scan3A_223 iter_args(%scan3A_235 = %scan3A_219) -> (i32)  : i32 {
      %mul3A_236 = arith.constant 16 : i32
      %mul3A_237 = arith.muli %scan3A_234, %mul3A_236 : i32
      %swap3A = arith.index_cast %mul3A_237 : i32 to index
      %swap3A_238 = tpu.vector_load %arg9[%swap3A] {strides = array<i32>} : memref<512xf32, #tpu.memory_space<vmem>>, vector<16xf32>,
      %swap3A_239 = vector.shape_cast %swap3A_238 : vector<16xf32> to vector<16xf32>
      %swap3A_240 = vector.shape_cast %get3A_218 : vector<16xf32> to vector<16xf32>
      tpu.vector_store %arg9[%swap3A], %swap3A_240 {strides = array<i32>} : memref<512xf32, #tpu.memory_space<vmem>>, vector<16xf32>,
      %scan3A_241 = arith.constant 0 : i32
      %scan3A_242 = arith.constant 1 : i32
      %scan3A_243 = arith.addi %scan3A_234, %scan3A_242 : i32
      %mul3A_244 = arith.constant 16 : i32
      %mul3A_245 = arith.muli %scan3A_243, %mul3A_244 : i32
      %swap3A_246 = arith.index_cast %mul3A_245 : i32 to index
      %swap3A_247 = tpu.vector_load %arg9[%swap3A_246] {strides = array<i32>} : memref<512xf32, #tpu.memory_space<vmem>>, vector<16xf32>,
      %swap3A_248 = vector.shape_cast %swap3A_247 : vector<16xf32> to vector<16xf32>
      %swap3A_249 = vector.shape_cast %get3A_218 : vector<16xf32> to vector<16xf32>
      tpu.vector_store %arg9[%swap3A_246], %swap3A_249 {strides = array<i32>} : memref<512xf32, #tpu.memory_space<vmem>>, vector<16xf32>,
      %scan3A_250 = arith.constant 0 : i32
      %scan3A_251 = arith.constant 2 : i32
      %scan3A_252 = arith.addi %scan3A_234, %scan3A_251 : i32
      %mul3A_253 = arith.constant 16 : i32
      %mul3A_254 = arith.muli %scan3A_252, %mul3A_253 : i32
      %swap3A_255 = arith.index_cast %mul3A_254 : i32 to index
      %swap3A_256 = tpu.vector_load %arg9[%swap3A_255] {strides = array<i32>} : memref<512xf32, #tpu.memory_space<vmem>>, vector<16xf32>,
      %swap3A_257 = vector.shape_cast %swap3A_256 : vector<16xf32> to vector<16xf32>
      %swap3A_258 = vector.shape_cast %get3A_218 : vector<16xf32> to vector<16xf32>
      tpu.vector_store %arg9[%swap3A_255], %swap3A_258 {strides = array<i32>} : memref<512xf32, #tpu.memory_space<vmem>>, vector<16xf32>,
      %scan3A_259 = arith.constant 0 : i32
      %scan3A_260 = arith.constant 3 : i32
      %scan3A_261 = arith.addi %scan3A_234, %scan3A_260 : i32
      %mul3A_262 = arith.constant 16 : i32
      %mul3A_263 = arith.muli %scan3A_261, %mul3A_262 : i32
      %swap3A_264 = arith.index_cast %mul3A_263 : i32 to index
      %swap3A_265 = tpu.vector_load %arg9[%swap3A_264] {strides = array<i32>} : memref<512xf32, #tpu.memory_space<vmem>>, vector<16xf32>,
      %swap3A_266 = vector.shape_cast %swap3A_265 : vector<16xf32> to vector<16xf32>
      %swap3A_267 = vector.shape_cast %get3A_218 : vector<16xf32> to vector<16xf32>
      tpu.vector_store %arg9[%swap3A_264], %swap3A_267 {strides = array<i32>} : memref<512xf32, #tpu.memory_space<vmem>>, vector<16xf32>,
      %scan3A_268 = arith.constant 0 : i32
      %scan3A_269 = arith.constant 4 : i32
      %scan3A_270 = arith.addi %scan3A_234, %scan3A_269 : i32
      %mul3A_271 = arith.constant 16 : i32
      %mul3A_272 = arith.muli %scan3A_270, %mul3A_271 : i32
      %swap3A_273 = arith.index_cast %mul3A_272 : i32 to index
      %swap3A_274 = tpu.vector_load %arg9[%swap3A_273] {strides = array<i32>} : memref<512xf32, #tpu.memory_space<vmem>>, vector<16xf32>,
      %swap3A_275 = vector.shape_cast %swap3A_274 : vector<16xf32> to vector<16xf32>
      %swap3A_276 = vector.shape_cast %get3A_218 : vector<16xf32> to vector<16xf32>
      tpu.vector_store %arg9[%swap3A_273], %swap3A_276 {strides = array<i32>} : memref<512xf32, #tpu.memory_space<vmem>>, vector<16xf32>,
      %scan3A_277 = arith.constant 0 : i32
      %scan3A_278 = arith.constant 5 : i32
      %scan3A_279 = arith.addi %scan3A_234, %scan3A_278 : i32
      %mul3A_280 = arith.constant 16 : i32
      %mul3A_281 = arith.muli %scan3A_279, %mul3A_280 : i32
      %swap3A_282 = arith.index_cast %mul3A_281 : i32 to index
      %swap3A_283 = tpu.vector_load %arg9[%swap3A_282] {strides = array<i32>} : memref<512xf32, #tpu.memory_space<vmem>>, vector<16xf32>,
      %swap3A_284 = vector.shape_cast %swap3A_283 : vector<16xf32> to vector<16xf32>
      %swap3A_285 = vector.shape_cast %get3A_218 : vector<16xf32> to vector<16xf32>
      tpu.vector_store %arg9[%swap3A_282], %swap3A_285 {strides = array<i32>} : memref<512xf32, #tpu.memory_space<vmem>>, vector<16xf32>,
      %scan3A_286 = arith.constant 0 : i32
      %scan3A_287 = arith.constant 6 : i32
      %scan3A_288 = arith.addi %scan3A_234, %scan3A_287 : i32
      %mul3A_289 = arith.constant 16 : i32
      %mul3A_290 = arith.muli %scan3A_288, %mul3A_289 : i32
      %swap3A_291 = arith.index_cast %mul3A_290 : i32 to index
      %swap3A_292 = tpu.vector_load %arg9[%swap3A_291] {strides = array<i32>} : memref<512xf32, #tpu.memory_space<vmem>>, vector<16xf32>,
      %swap3A_293 = vector.shape_cast %swap3A_292 : vector<16xf32> to vector<16xf32>
      %swap3A_294 = vector.shape_cast %get3A_218 : vector<16xf32> to vector<16xf32>
      tpu.vector_store %arg9[%swap3A_291], %swap3A_294 {strides = array<i32>} : memref<512xf32, #tpu.memory_space<vmem>>, vector<16xf32>,
      %scan3A_295 = arith.constant 0 : i32
      %scan3A_296 = arith.constant 7 : i32
      %scan3A_297 = arith.addi %scan3A_234, %scan3A_296 : i32
      %mul3A_298 = arith.constant 16 : i32
      %mul3A_299 = arith.muli %scan3A_297, %mul3A_298 : i32
      %swap3A_300 = arith.index_cast %mul3A_299 : i32 to index
      %swap3A_301 = tpu.vector_load %arg9[%swap3A_300] {strides = array<i32>} : memref<512xf32, #tpu.memory_space<vmem>>, vector<16xf32>,
      %swap3A_302 = vector.shape_cast %swap3A_301 : vector<16xf32> to vector<16xf32>
      %swap3A_303 = vector.shape_cast %get3A_218 : vector<16xf32> to vector<16xf32>
      tpu.vector_store %arg9[%swap3A_300], %swap3A_303 {strides = array<i32>} : memref<512xf32, #tpu.memory_space<vmem>>, vector<16xf32>,
      %scan3A_304 = arith.constant 0 : i32
      scf.yield %scan3A_304 : i32
    }
    %scan3A_225 = arith.constant 32 : i32
    %scan3A_226 = arith.constant 0 : i32
    %scan3A_227 = arith.constant 0 : i32
    %scan3A_228 = arith.constant 0 : i32
    %scan3A_229 = arith.constant 26 : i32
    %scan3A_230 = arith.addi %scan3A_228, %scan3A_229 : i32
    %scan3A_231 = arith.constant 1 : i32
    %scan3A_232 = scf.for %scan3A_234 = %scan3A_228 to %scan3A_230 step %scan3A_231 iter_args(%scan3A_235 = %scan3A_227) -> (i32)  : i32 {
      %mul3A_236 = arith.constant 512 : i32
      %mul3A_237 = arith.muli %scan3A_234, %mul3A_236 : i32
      %dma_wait3A = tpu.memref_slice %arg8[%mul3A_237] : memref<13312xf32, #tpu.memory_space<vmem>> -> memref<512xf32, #tpu.memory_space<vmem>>
      %dma_wait3A_238 = tpu.memref_slice %arg7[%mul3A_237] : memref<13312xi32, #tpu.memory_space<vmem>> -> memref<512xi32, #tpu.memory_space<vmem>>
      %dma_wait3A_239 = arith.constant 0 : i32
      %dma_wait3A_240 = tpu.memref_slice %arg3[%scan3A_226, %dma_wait3A_239] : memref<1x1040000xf32, #tpu.memory_space<hbm>> -> memref<1x1040000xf32, #tpu.memory_space<hbm>>
      %dma_wait3A_241 = tpu.memref_squeeze %dma_wait3A_240 : memref<1x1040000xf32, #tpu.memory_space<hbm>> -> memref<1040000xf32, #tpu.memory_space<hbm>>
      %dma_wait3A_242 = arith.constant 0 : i32
      %dma_wait3A_243 = tpu.memref_slice %dma_wait3A_241[%dma_wait3A_242] : memref<1040000xf32, #tpu.memory_space<hbm>> -> memref<1040000xf32, #tpu.memory_space<hbm>>
      tpu.wait_indirect_dma semaphore(%arg11 : memref<!tpu.dma_semaphore, #tpu.memory_space<semaphore_mem>>) src(%dma_wait3A_243 : memref<1040000xf32, #tpu.memory_space<hbm>>) dst(%dma_wait3A : memref<512xf32, #tpu.memory_space<vmem>>)
      %scan3A_244 = arith.constant 0 : i32
      %scan3A_245 = arith.constant 0 : i32
      %scan3A_246 = arith.constant 32 : i32
      %scan3A_247 = arith.addi %scan3A_245, %scan3A_246 : i32
      %scan3A_248 = arith.constant 8 : i32
      %scan3A_249 = scf.for %scan3A_252 = %scan3A_245 to %scan3A_247 step %scan3A_248 iter_args(%scan3A_253 = %scan3A_244) -> (i32)  : i32 {
        %mul3A_254 = arith.constant 16 : i32
        %mul3A_255 = arith.muli %scan3A_252, %mul3A_254 : i32
        %get3A_256 = arith.index_cast %mul3A_255 : i32 to index
        %get3A_257 = tpu.vector_load %arg9[%get3A_256] {strides = array<i32>} : memref<512xf32, #tpu.memory_space<vmem>>, vector<16xf32>,
        %get3A_258 = vector.shape_cast %get3A_257 : vector<16xf32> to vector<16xf32>
        %add3A_259 = arith.addi %mul3A_237, %mul3A_255 : i32
        %get3A_260 = arith.index_cast %add3A_259 : i32 to index
        %get3A_261 = tpu.vector_load %arg8[%get3A_260] {strides = array<i32>} : memref<13312xf32, #tpu.memory_space<vmem>>, vector<16xf32>,
        %get3A_262 = vector.shape_cast %get3A_261 : vector<16xf32> to vector<16xf32>
        %add3A_263 = arith.addf %get3A_258, %get3A_262 : vector<16xf32>
        %swap3A = arith.index_cast %mul3A_255 : i32 to index
        %swap3A_264 = tpu.vector_load %arg9[%swap3A] {strides = array<i32>} : memref<512xf32, #tpu.memory_space<vmem>>, vector<16xf32>,
        %swap3A_265 = vector.shape_cast %swap3A_264 : vector<16xf32> to vector<16xf32>
        %swap3A_266 = vector.shape_cast %add3A_263 : vector<16xf32> to vector<16xf32>
        tpu.vector_store %arg9[%swap3A], %swap3A_266 {strides = array<i32>} : memref<512xf32, #tpu.memory_space<vmem>>, vector<16xf32>,
        %scan3A_267 = arith.constant 0 : i32
        %scan3A_268 = arith.constant 1 : i32
        %scan3A_269 = arith.addi %scan3A_252, %scan3A_268 : i32
        %mul3A_270 = arith.constant 16 : i32
        %mul3A_271 = arith.muli %scan3A_269, %mul3A_270 : i32
        %get3A_272 = arith.index_cast %mul3A_271 : i32 to index
        %get3A_273 = tpu.vector_load %arg9[%get3A_272] {strides = array<i32>} : memref<512xf32, #tpu.memory_space<vmem>>, vector<16xf32>,
        %get3A_274 = vector.shape_cast %get3A_273 : vector<16xf32> to vector<16xf32>
        %add3A_275 = arith.addi %mul3A_237, %mul3A_271 : i32
        %get3A_276 = arith.index_cast %add3A_275 : i32 to index
        %get3A_277 = tpu.vector_load %arg8[%get3A_276] {strides = array<i32>} : memref<13312xf32, #tpu.memory_space<vmem>>, vector<16xf32>,
        %get3A_278 = vector.shape_cast %get3A_277 : vector<16xf32> to vector<16xf32>
        %add3A_279 = arith.addf %get3A_274, %get3A_278 : vector<16xf32>
        %swap3A_280 = arith.index_cast %mul3A_271 : i32 to index
        %swap3A_281 = tpu.vector_load %arg9[%swap3A_280] {strides = array<i32>} : memref<512xf32, #tpu.memory_space<vmem>>, vector<16xf32>,
        %swap3A_282 = vector.shape_cast %swap3A_281 : vector<16xf32> to vector<16xf32>
        %swap3A_283 = vector.shape_cast %add3A_279 : vector<16xf32> to vector<16xf32>
        tpu.vector_store %arg9[%swap3A_280], %swap3A_283 {strides = array<i32>} : memref<512xf32, #tpu.memory_space<vmem>>, vector<16xf32>,
        %scan3A_284 = arith.constant 0 : i32
        %scan3A_285 = arith.constant 2 : i32
        %scan3A_286 = arith.addi %scan3A_252, %scan3A_285 : i32
        %mul3A_287 = arith.constant 16 : i32
        %mul3A_288 = arith.muli %scan3A_286, %mul3A_287 : i32
        %get3A_289 = arith.index_cast %mul3A_288 : i32 to index
        %get3A_290 = tpu.vector_load %arg9[%get3A_289] {strides = array<i32>} : memref<512xf32, #tpu.memory_space<vmem>>, vector<16xf32>,
        %get3A_291 = vector.shape_cast %get3A_290 : vector<16xf32> to vector<16xf32>
        %add3A_292 = arith.addi %mul3A_237, %mul3A_288 : i32
        %get3A_293 = arith.index_cast %add3A_292 : i32 to index
        %get3A_294 = tpu.vector_load %arg8[%get3A_293] {strides = array<i32>} : memref<13312xf32, #tpu.memory_space<vmem>>, vector<16xf32>,
        %get3A_295 = vector.shape_cast %get3A_294 : vector<16xf32> to vector<16xf32>
        %add3A_296 = arith.addf %get3A_291, %get3A_295 : vector<16xf32>
        %swap3A_297 = arith.index_cast %mul3A_288 : i32 to index
        %swap3A_298 = tpu.vector_load %arg9[%swap3A_297] {strides = array<i32>} : memref<512xf32, #tpu.memory_space<vmem>>, vector<16xf32>,
        %swap3A_299 = vector.shape_cast %swap3A_298 : vector<16xf32> to vector<16xf32>
        %swap3A_300 = vector.shape_cast %add3A_296 : vector<16xf32> to vector<16xf32>
        tpu.vector_store %arg9[%swap3A_297], %swap3A_300 {strides = array<i32>} : memref<512xf32, #tpu.memory_space<vmem>>, vector<16xf32>,
        %scan3A_301 = arith.constant 0 : i32
        %scan3A_302 = arith.constant 3 : i32
        %scan3A_303 = arith.addi %scan3A_252, %scan3A_302 : i32
        %mul3A_304 = arith.constant 16 : i32
        %mul3A_305 = arith.muli %scan3A_303, %mul3A_304 : i32
        %get3A_306 = arith.index_cast %mul3A_305 : i32 to index
        %get3A_307 = tpu.vector_load %arg9[%get3A_306] {strides = array<i32>} : memref<512xf32, #tpu.memory_space<vmem>>, vector<16xf32>,
        %get3A_308 = vector.shape_cast %get3A_307 : vector<16xf32> to vector<16xf32>
        %add3A_309 = arith.addi %mul3A_237, %mul3A_305 : i32
        %get3A_310 = arith.index_cast %add3A_309 : i32 to index
        %get3A_311 = tpu.vector_load %arg8[%get3A_310] {strides = array<i32>} : memref<13312xf32, #tpu.memory_space<vmem>>, vector<16xf32>,
        %get3A_312 = vector.shape_cast %get3A_311 : vector<16xf32> to vector<16xf32>
        %add3A_313 = arith.addf %get3A_308, %get3A_312 : vector<16xf32>
        %swap3A_314 = arith.index_cast %mul3A_305 : i32 to index
        %swap3A_315 = tpu.vector_load %arg9[%swap3A_314] {strides = array<i32>} : memref<512xf32, #tpu.memory_space<vmem>>, vector<16xf32>,
        %swap3A_316 = vector.shape_cast %swap3A_315 : vector<16xf32> to vector<16xf32>
        %swap3A_317 = vector.shape_cast %add3A_313 : vector<16xf32> to vector<16xf32>
        tpu.vector_store %arg9[%swap3A_314], %swap3A_317 {strides = array<i32>} : memref<512xf32, #tpu.memory_space<vmem>>, vector<16xf32>,
        %scan3A_318 = arith.constant 0 : i32
        %scan3A_319 = arith.constant 4 : i32
        %scan3A_320 = arith.addi %scan3A_252, %scan3A_319 : i32
        %mul3A_321 = arith.constant 16 : i32
        %mul3A_322 = arith.muli %scan3A_320, %mul3A_321 : i32
        %get3A_323 = arith.index_cast %mul3A_322 : i32 to index
        %get3A_324 = tpu.vector_load %arg9[%get3A_323] {strides = array<i32>} : memref<512xf32, #tpu.memory_space<vmem>>, vector<16xf32>,
        %get3A_325 = vector.shape_cast %get3A_324 : vector<16xf32> to vector<16xf32>
        %add3A_326 = arith.addi %mul3A_237, %mul3A_322 : i32
        %get3A_327 = arith.index_cast %add3A_326 : i32 to index
        %get3A_328 = tpu.vector_load %arg8[%get3A_327] {strides = array<i32>} : memref<13312xf32, #tpu.memory_space<vmem>>, vector<16xf32>,
        %get3A_329 = vector.shape_cast %get3A_328 : vector<16xf32> to vector<16xf32>
        %add3A_330 = arith.addf %get3A_325, %get3A_329 : vector<16xf32>
        %swap3A_331 = arith.index_cast %mul3A_322 : i32 to index
        %swap3A_332 = tpu.vector_load %arg9[%swap3A_331] {strides = array<i32>} : memref<512xf32, #tpu.memory_space<vmem>>, vector<16xf32>,
        %swap3A_333 = vector.shape_cast %swap3A_332 : vector<16xf32> to vector<16xf32>
        %swap3A_334 = vector.shape_cast %add3A_330 : vector<16xf32> to vector<16xf32>
        tpu.vector_store %arg9[%swap3A_331], %swap3A_334 {strides = array<i32>} : memref<512xf32, #tpu.memory_space<vmem>>, vector<16xf32>,
        %scan3A_335 = arith.constant 0 : i32
        %scan3A_336 = arith.constant 5 : i32
        %scan3A_337 = arith.addi %scan3A_252, %scan3A_336 : i32
        %mul3A_338 = arith.constant 16 : i32
        %mul3A_339 = arith.muli %scan3A_337, %mul3A_338 : i32
        %get3A_340 = arith.index_cast %mul3A_339 : i32 to index
        %get3A_341 = tpu.vector_load %arg9[%get3A_340] {strides = array<i32>} : memref<512xf32, #tpu.memory_space<vmem>>, vector<16xf32>,
        %get3A_342 = vector.shape_cast %get3A_341 : vector<16xf32> to vector<16xf32>
        %add3A_343 = arith.addi %mul3A_237, %mul3A_339 : i32
        %get3A_344 = arith.index_cast %add3A_343 : i32 to index
        %get3A_345 = tpu.vector_load %arg8[%get3A_344] {strides = array<i32>} : memref<13312xf32, #tpu.memory_space<vmem>>, vector<16xf32>,
        %get3A_346 = vector.shape_cast %get3A_345 : vector<16xf32> to vector<16xf32>
        %add3A_347 = arith.addf %get3A_342, %get3A_346 : vector<16xf32>
        %swap3A_348 = arith.index_cast %mul3A_339 : i32 to index
        %swap3A_349 = tpu.vector_load %arg9[%swap3A_348] {strides = array<i32>} : memref<512xf32, #tpu.memory_space<vmem>>, vector<16xf32>,
        %swap3A_350 = vector.shape_cast %swap3A_349 : vector<16xf32> to vector<16xf32>
        %swap3A_351 = vector.shape_cast %add3A_347 : vector<16xf32> to vector<16xf32>
        tpu.vector_store %arg9[%swap3A_348], %swap3A_351 {strides = array<i32>} : memref<512xf32, #tpu.memory_space<vmem>>, vector<16xf32>,
        %scan3A_352 = arith.constant 0 : i32
        %scan3A_353 = arith.constant 6 : i32
        %scan3A_354 = arith.addi %scan3A_252, %scan3A_353 : i32
        %mul3A_355 = arith.constant 16 : i32
        %mul3A_356 = arith.muli %scan3A_354, %mul3A_355 : i32
        %get3A_357 = arith.index_cast %mul3A_356 : i32 to index
        %get3A_358 = tpu.vector_load %arg9[%get3A_357] {strides = array<i32>} : memref<512xf32, #tpu.memory_space<vmem>>, vector<16xf32>,
        %get3A_359 = vector.shape_cast %get3A_358 : vector<16xf32> to vector<16xf32>
        %add3A_360 = arith.addi %mul3A_237, %mul3A_356 : i32
        %get3A_361 = arith.index_cast %add3A_360 : i32 to index
        %get3A_362 = tpu.vector_load %arg8[%get3A_361] {strides = array<i32>} : memref<13312xf32, #tpu.memory_space<vmem>>, vector<16xf32>,
        %get3A_363 = vector.shape_cast %get3A_362 : vector<16xf32> to vector<16xf32>
        %add3A_364 = arith.addf %get3A_359, %get3A_363 : vector<16xf32>
        %swap3A_365 = arith.index_cast %mul3A_356 : i32 to index
        %swap3A_366 = tpu.vector_load %arg9[%swap3A_365] {strides = array<i32>} : memref<512xf32, #tpu.memory_space<vmem>>, vector<16xf32>,
        %swap3A_367 = vector.shape_cast %swap3A_366 : vector<16xf32> to vector<16xf32>
        %swap3A_368 = vector.shape_cast %add3A_364 : vector<16xf32> to vector<16xf32>
        tpu.vector_store %arg9[%swap3A_365], %swap3A_368 {strides = array<i32>} : memref<512xf32, #tpu.memory_space<vmem>>, vector<16xf32>,
        %scan3A_369 = arith.constant 0 : i32
        %scan3A_370 = arith.constant 7 : i32
        %scan3A_371 = arith.addi %scan3A_252, %scan3A_370 : i32
        %mul3A_372 = arith.constant 16 : i32
        %mul3A_373 = arith.muli %scan3A_371, %mul3A_372 : i32
        %get3A_374 = arith.index_cast %mul3A_373 : i32 to index
        %get3A_375 = tpu.vector_load %arg9[%get3A_374] {strides = array<i32>} : memref<512xf32, #tpu.memory_space<vmem>>, vector<16xf32>,
        %get3A_376 = vector.shape_cast %get3A_375 : vector<16xf32> to vector<16xf32>
        %add3A_377 = arith.addi %mul3A_237, %mul3A_373 : i32
        %get3A_378 = arith.index_cast %add3A_377 : i32 to index
        %get3A_379 = tpu.vector_load %arg8[%get3A_378] {strides = array<i32>} : memref<13312xf32, #tpu.memory_space<vmem>>, vector<16xf32>,
        %get3A_380 = vector.shape_cast %get3A_379 : vector<16xf32> to vector<16xf32>
        %add3A_381 = arith.addf %get3A_376, %get3A_380 : vector<16xf32>
        %swap3A_382 = arith.index_cast %mul3A_373 : i32 to index
        %swap3A_383 = tpu.vector_load %arg9[%swap3A_382] {strides = array<i32>} : memref<512xf32, #tpu.memory_space<vmem>>, vector<16xf32>,
        %swap3A_384 = vector.shape_cast %swap3A_383 : vector<16xf32> to vector<16xf32>
        %swap3A_385 = vector.shape_cast %add3A_381 : vector<16xf32> to vector<16xf32>
        tpu.vector_store %arg9[%swap3A_382], %swap3A_385 {strides = array<i32>} : memref<512xf32, #tpu.memory_space<vmem>>, vector<16xf32>,
        %scan3A_386 = arith.constant 0 : i32
        scf.yield %scan3A_386 : i32
      }
      %scan3A_250 = arith.constant 32 : i32
      %scan3A_251 = arith.constant 0 : i32
      scf.yield %scan3A_251 : i32
    }
    %scan3A_233 = arith.constant 26 : i32
    %run_scoped3A = arith.constant 0 : i32
    "tpu.region"() ({
      %run_scoped3A_234 = tpu.sem_alloc : memref<!tpu.dma_semaphore, #tpu.memory_space<semaphore_mem>>
      %dma_start3A_235 = arith.constant 0 : i32
      %dma_start3A_236 = tpu.memref_slice %arg5[%run_scoped3A, %dma_start3A_235] : memref<1x16384xf32, #tpu.memory_space<hbm>> -> memref<1x16384xf32, #tpu.memory_space<hbm>>
      %dma_start3A_237 = tpu.memref_squeeze %dma_start3A_236 : memref<1x16384xf32, #tpu.memory_space<hbm>> -> memref<16384xf32, #tpu.memory_space<hbm>>
      %dma_start3A_238 = tpu.memref_slice %dma_start3A_237[%mul3A_2] : memref<16384xf32, #tpu.memory_space<hbm>> -> memref<512xf32, #tpu.memory_space<hbm>>
      %dma_start3A_239 = arith.constant 0 : i32
      %dma_start3A_240 = tpu.memref_slice %arg5[%run_scoped3A, %dma_start3A_239] : memref<1x16384xf32, #tpu.memory_space<hbm>> -> memref<1x16384xf32, #tpu.memory_space<hbm>>
      %dma_start3A_241 = tpu.memref_squeeze %dma_start3A_240 : memref<1x16384xf32, #tpu.memory_space<hbm>> -> memref<16384xf32, #tpu.memory_space<hbm>>
      %dma_start3A_242 = tpu.memref_slice %dma_start3A_241[%mul3A_2] : memref<16384xf32, #tpu.memory_space<hbm>> -> memref<512xf32, #tpu.memory_space<hbm>>
      tpu.enqueue_dma source(%arg9 : memref<512xf32, #tpu.memory_space<vmem>>) target(%dma_start3A_242 : memref<512xf32, #tpu.memory_space<hbm>>) target_semaphore(%run_scoped3A_234 : memref<!tpu.dma_semaphore, #tpu.memory_space<semaphore_mem>>)
      %dma_wait3A = arith.constant 0 : i32
      %dma_wait3A_243 = tpu.memref_slice %arg5[%run_scoped3A, %dma_wait3A] : memref<1x16384xf32, #tpu.memory_space<hbm>> -> memref<1x16384xf32, #tpu.memory_space<hbm>>
      %dma_wait3A_244 = tpu.memref_squeeze %dma_wait3A_243 : memref<1x16384xf32, #tpu.memory_space<hbm>> -> memref<16384xf32, #tpu.memory_space<hbm>>
      %dma_wait3A_245 = tpu.memref_slice %dma_wait3A_244[%mul3A_2] : memref<16384xf32, #tpu.memory_space<hbm>> -> memref<512xf32, #tpu.memory_space<hbm>>
      %dma_wait3A_246 = arith.constant 0 : i32
      %dma_wait3A_247 = tpu.memref_slice %arg5[%run_scoped3A, %dma_wait3A_246] : memref<1x16384xf32, #tpu.memory_space<hbm>> -> memref<1x16384xf32, #tpu.memory_space<hbm>>
      %dma_wait3A_248 = tpu.memref_squeeze %dma_wait3A_247 : memref<1x16384xf32, #tpu.memory_space<hbm>> -> memref<16384xf32, #tpu.memory_space<hbm>>
      %dma_wait3A_249 = tpu.memref_slice %dma_wait3A_248[%mul3A_2] : memref<16384xf32, #tpu.memory_space<hbm>> -> memref<512xf32, #tpu.memory_space<hbm>>
      tpu.wait_dma2 semaphore(%run_scoped3A_234 : memref<!tpu.dma_semaphore, #tpu.memory_space<semaphore_mem>>) src(%arg9 : memref<512xf32, #tpu.memory_space<vmem>>) dst(%dma_wait3A_249 : memref<512xf32, #tpu.memory_space<hbm>>)
      tpu.yield
    }) : () -> ()
    return
  }
}

</mosaic_0001>

<sc_bundles>
// kernel: kernel.3.cloned.1.call-start
scs
__scs_entry_jumppad:
0x0: {  	(pc) =	sbr.rel $0x88, $3  }
0x1: {  	(tag) =	ssettag $0x0;
	lr =	simm.s32 $0x1  }
0x2: {  	[smem:$0x3F9E] =	sst lr;
	_ =	strace $0xD0000000  }
0x3: {  	_ = 	snop  }
0x4: {  	_ = 	snop  }
0x5: {  	_ = 	snop  }
0x6: {  	_ = 	snop  }
0x7: {  	_ = 	snop  }
__scs_overlays_trampoline_lowered:
0x8: {  	[smem:$0x3FAD] =	sst s0  }
0x9: {  	[smem:$0x3FAE] =	sst s1  }
0xa: {  	[smem:$0x3FAF] =	sst s2  }
0xb: {  	[smem:$0x3FB0] =	sst s3  }
0xc: {  	[smem:$0x3FB1] =	sst s4  }
0xd: {  	[smem:$0x3FB2] =	sst s5  }
0xe: {  	[smem:$0x3FB3] =	sst s6  }
0xf: {  	[smem:$0x3FB4] =	sst s7  }
0x10: {  	[smem:$0x3FB5] =	sst s8  }
0x11: {  	[smem:$0x3FB6] =	sst s9;
	s0 =	simm.s32 @!p0 $0x0  }
0x12: {  	s1 =	sld [smem:$0x3F9C];
	s0 =	simm.s32 @p0 $0x1  }
0x13: {  	[smem:$0x3FB7] =	sst s0;
	s0 =	simm.s32 @!p1 $0x0  }
0x14: {  	s2 =	sld [smem:$0x3F9B];
	s0 =	simm.s32 @p1 $0x1  }
0x15: {  	[smem:$0x3FB8] =	sst s0;
	s0 =	simm.s32 @!p2 $0x0  }
0x16: {  	s3 =	sld [smem:$0x3FDB];
	s0 =	simm.s32 @p2 $0x1  }
0x17: {  	s4 =	simm.s32 $0x1BF5;
	[smem:$0x3FBA] =	sst s0  }
0x18: {  	s0 =	sld [smem:$0x3F9D];
	_ =	swait.ge [sflag:s4], $0x0  }
0x19: {  	s7 =	sld [smem:$0x3F9E]  }
0x1a: {  	s8 =	sadd.s32 $0xFFFFE003, lr  }
0x1b: {  	s9 =	sadd.s32 $0xFFFFFEF7, lr;
	s5 =	simm.s32 $0xFFFFFFFF;
	p2 =	slt.u32 s8, $0xFFFFF086  }
0x1c: {  	p1 =	slt.u32 s9, $0xF7A;
	s5 =	simm.s32 @!p2 $0x0  }
0x1d: {  	s5 =	simm.s32 @p1 $0x1;
	p0 =	seq.s32 s7, s2  }
0x1e: {  	s7 =	smul.u32 @!p0 $0xF7A, s2;
	p2 =	seq.s32 @!p0 s5, $0x0  }
0x1f: {  	s9 =	smul.u32 $0xF7A, s1;
	s8 =	simm.s32 @!p0 $0x1BF5;
	p2 =	por !p2, p0  }
0x20: {  	[sflag:s8] =	ssyncset.s32 @!p0 $0xFFFFF086;
	s6 =	sadd.s32 @!p0 s3, s7;
	s7 =	simm.s32 @!p0 $0x108  }
0x21: {  	s3 =	sadd.s32 s3, s9;
	s6 =	sadd.s32 @!p0 $0x88, s6;
	s7 =	simm.s32 @p2 $0x1082  }
0x22: {  	[simem:s7], [sflag:s8] =	dma.local @!p0 [hbm:s6], $0xF7A  }
0x23: {  	s9 =	sor.u32 $0xD0000000, s2;
	s6 =	simm.s32 $0x108;
	_ =	swait.ge @!p0 [sflag:s8], $0x0  }
0x24: {  	s3 =	sadd.s32 $0x88, s3;
	s6 =	simm.s32 @!p1 $0x1082;
	[sflag:s4] =	ssyncset.s32 $0xFFFFF086  }
0x25: {  	[simem:s6], [sflag:s4] =	dma.local [hbm:s3], $0xF7A  }
0x26: {  	[smem:$0x3F9E] =	sst s1;
	(tag) =	ssettag s2;
	_ =	strace s9  }
0x27: {  	s1 =	sld [smem:$0x3FAE]  }
0x28: {  	s2 =	sld [smem:$0x3FAF]  }
0x29: {  	s4 =	sld [smem:$0x3FB1]  }
0x2a: {  	p0 =	seq.s32 s5, $0x0;
	s5 =	sld [smem:$0x3FB2]  }
0x2b: {  	s6 =	sld [smem:$0x3FB3]  }
0x2c: {  	s7 =	sld [smem:$0x3FB4]  }
0x2d: {  	s3 =	simm.s32 $0x108;
	s8 =	sld [smem:$0x3FB5]  }
0x2e: {  	s3 =	simm.s32 @!p0 $0x1082;
	s9 =	sld [smem:$0x3FB6]  }
0x2f: {  	lr =	sadd.s32 s0, s3;
	s0 =	sld [smem:$0x3FAD]  }
0x30: {  	s3 =	sld [smem:$0x3FB0]  }
0x31: {  	[smem:$0x3FB9] =	sst s10  }
0x32: {  	s10 =	sld [smem:$0x3FB7];
	_ =	sdelay $0x3  }
0x33: {  	p0 =	seq.s32 s10, $0x1;
	s10 =	sld [smem:$0x3FB9];
	_ =	sdelay $0x3  }
0x34: {  	[smem:$0x3FB9] =	sst s10  }
0x35: {  	s10 =	sld [smem:$0x3FB8];
	_ =	sdelay $0x3  }
0x36: {  	p1 =	seq.s32 s10, $0x1;
	s10 =	sld [smem:$0x3FB9];
	_ =	sdelay $0x3  }
0x37: {  	[smem:$0x3FB9] =	sst s10  }
0x38: {  	s10 =	sld [smem:$0x3FBA]  }
0x39: {  	_ = 	snop;
	(pc) =	sbr.ind lr, $3  }
0x3a: {  	_ = 	snop  }
0x3b: {  	_ = 	snop  }
0x3c: {  	p2 =	seq.s32 s10, $0x1;
	s10 =	sld [smem:$0x3FB9]  }
0x3d: {  	_ =	shalt  }
0x3e: {  	_ =	shalt  }
0x3f: {  	_ =	shalt  }
0x40: {  	_ =	shalt  }
0x41: {  	_ =	shalt  }
0x42: {  	_ =	shalt  }
0x43: {  	_ =	shalt  }
0x44: {  	_ =	shalt  }
0x45: {  	_ =	shalt  }
0x46: {  	_ =	shalt  }
0x47: {  	_ =	shalt  }
0x48: {  	_ =	shalt  }
0x49: {  	_ =	shalt  }
0x4a: {  	_ =	shalt  }
0x4b: {  	_ =	shalt  }
0x4c: {  	_ =	shalt  }
0x4d: {  	_ =	shalt  }
0x4e: {  	_ =	shalt  }
0x4f: {  	_ =	shalt  }
0x50: {  	_ =	shalt  }
0x51: {  	_ =	shalt  }
0x52: {  	_ =	shalt  }
0x53: {  	_ =	shalt  }
0x54: {  	_ =	shalt  }
0x55: {  	_ =	shalt  }
0x56: {  	_ =	shalt  }
0x57: {  	_ =	shalt  }
0x58: {  	_ =	shalt  }
0x59: {  	_ =	shalt  }
0x5a: {  	_ =	shalt  }
0x5b: {  	_ =	shalt  }
0x5c: {  	_ =	shalt  }
0x5d: {  	_ =	shalt  }
0x5e: {  	_ =	shalt  }
0x5f: {  	_ =	shalt  }
0x60: {  	_ =	shalt  }
0x61: {  	_ =	shalt  }
0x62: {  	_ =	shalt  }
0x63: {  	_ =	shalt  }
0x64: {  	_ =	shalt  }
0x65: {  	_ =	shalt  }
0x66: {  	_ =	shalt  }
0x67: {  	_ =	shalt  }
0x68: {  	_ =	shalt  }
0x69: {  	_ =	shalt  }
0x6a: {  	_ =	shalt  }
0x6b: {  	_ =	shalt  }
0x6c: {  	_ =	shalt  }
0x6d: {  	_ =	shalt  }
0x6e: {  	_ =	shalt  }
0x6f: {  	_ =	shalt  }
0x70: {  	_ =	shalt  }
0x71: {  	_ =	shalt  }
0x72: {  	_ =	shalt  }
0x73: {  	_ =	shalt  }
0x74: {  	_ =	shalt  }
0x75: {  	_ =	shalt  }
0x76: {  	_ =	shalt  }
0x77: {  	_ =	shalt  }
0x78: {  	_ =	shalt  }
0x79: {  	_ =	shalt  }
0x7a: {  	_ =	shalt  }
0x7b: {  	_ =	shalt  }
0x7c: {  	_ =	shalt  }
0x7d: {  	_ =	shalt  }
0x7e: {  	_ =	shalt  }
0x7f: {  	_ =	shalt  }
0x80: {  	_ =	shalt  }
0x81: {  	_ =	shalt  }
0x82: {  	_ =	shalt  }
0x83: {  	_ =	shalt  }
0x84: {  	_ =	shalt  }
0x85: {  	_ =	shalt  }
0x86: {  	_ =	shalt  }
0x87: {  	_ =	shalt  }
.Lfunc_end0:
.L_simem_size_0:
called_computation_lowered:
.L_overlay_start_0:
0x88: {  	s2 =	sld [smem:$0x3FD9]  }
0x89: {  	s3 =	sld [smem:$0x3FFE];
	_ =	sdelay $0x1  }
0x8a: {  	s1 =	srdreg.scid  }
0x8b: {  	s0 =	sand.u32 $0x1, s1  }
0x8c: {  	s17 =	sshll.u32 s0, $0xA;
	s2 =	sadd.s32 s3, s2  }
0x8d: {  	s2 =	sadd.s32 s2, s17  }
0x8e: {  	[smem:$0x3FC5] =	sst s2  }
0x8f: {  	_ = 	snop  }
0x90: {  	s2 =	sld [smem:$0x3FC8]  }
0x91: {  	s18 =	sld [smem:$0x3FD0];
	(tm) =	ssettm $0x1  }
0x92: {  	s4 =	sld [smem:$0x3FFB];
	_ =	sdelay $0x3  }
0x93: {  	_ =	strace s4  }
0x94: {  	s4 =	sld [smem:$0x3FFC];
	_ =	sdelay $0x3  }
0x95: {  	_ =	strace s4  }
0x96: {  	s4 =	sld [smem:$0x3FFD];
	_ =	sdelay $0x3  }
0x97: {  	_ =	strace s4  }
0x98: {  	_ =	strace $0x8FFFFFFF  }
0x99: {  	s19 =	sld [smem:$0x3FDB];
	_ =	sdelay $0x1  }
0x9a: {  	s5 =	simm.s32 $_scs_section_size  }
0x9b: {  	s6 =	simm.s32 $_size__tile_overlayer_lowered;
	s7 =	simm.s32 $_tile_overlayer_lowered  }
0x9c: {  	s22 =	simm.s32 $0x1BFF;
	s21 =	sshll.u32 s7, $0x1;
	s4 =	sadd.s32 s5, s19  }
0x9d: {  	s8 =	simm.s32 $0x0;
	s20 =	sshll.u32 s6, $0x1;
	s6 =	sadd.s32 s21, s4  }
0x9e: {  	[timem:s8], [sflag:s22] =	dma.local [hbm:s6], s20  }
0x9f: {  	_ =	swait.ge [sflag:s22], s20  }
0xa0: {  	s5 =	ssub.s32 $0x0, s20;
	[sflag:s22] =	ssyncset.done $0x0  }
0xa1: {  	[sflag:s22] =	ssyncadd.s32 s5;
	_ =	sdelay $0x1  }
0xa2: {  	s23 =	simm.s32 $0x1B8B  }
0xa3: {  	_ =	swait.ge [sflag:s23], $0x1  }
0xa4: {  	[sflag:s23] =	ssyncset.done $0x0  }
0xa5: {  	s25 =	simm.s32 $0x1B8E;
	s24 =	sld [smem:$0x3FFE];
	[sflag:s23] =	ssyncadd.s32 $0xFFFFFFFF  }
0xa6: {  	s26 =	simm.s32 $execute0_lowered;
	[smem:$0x3FD2] =	sst s25  }
0xa7: {  	s6 =	sshll.u32 s26, $0x1;
	_ =	strace $0x80000046;
	[dreg:$0x1] =	wrdreg $0xFFFFFFFF  }
0xa8: {  	s28 =	simm.s32 $_size_execute0_lowered;
	s4 =	sadd.s32 s4, s6;
	[dreg:$0x0] =	wrdreg $0x0  }
0xa9: {  	s6 =	sshll.u32 s28, $0x1;
	[dreg:$0x2] =	wrdreg s4  }
0xaa: {  	[dreg:$0x3] =	wrdreg s6  }
0xab: {  	[dreg:$0x4] =	wrdreg $0xC0  }
0xac: {  	_ =	task [dreg:s8], $0x5FFFF  }
0xad: {  	[dreg:$0x1] =	wrdreg $0xFFFFFFFF  }
0xae: {  	[dreg:$0x0] =	wrdreg $0x60  }
0xaf: {  	[dreg:$0x2] =	wrdreg s24  }
0xb0: {  	[dreg:$0x3] =	wrdreg s2  }
0xb1: {  	[dreg:$0x4] =	wrdreg s18  }
0xb2: {  	[dreg:$0x5] =	wrdreg $0x9  }
0xb3: {  	_ =	task.clear_ibuf [dreg:s8], $0x6FFFF;
	_ =	strace $0x90000046  }
0xb4: {  	s29 =	simm.s32 $0x9;
	_ =	strace $0x80000048  }
0xb5: {  	_ =	swait.ge [sflag:s29], $0x1  }
0xb6: {  	[sflag:s29] =	ssyncadd.s32 $0xFFFFFFFF  }
0xb7: {  	_ =	strace $0x90000048  }
0xb8: {  	_ =	sfence  }
0xb9: {  	s30 =	sld [smem:$0x0];
	_ =	sdelay $0x2  }
0xba: {  	s31 =	sshll.u32 s1, $0xD;
	s1 =	sshrl.u32 s1, $0x2  }
0xbb: {  	s3 =	sand.u32 $0x4000, s31;
	s1 =	sadd.s32 s1, s30  }
0xbc: {  	s0 =	sor.u32 s3, s0;
	s1 =	sshll.u32 s1, $0x11  }
0xbd: {  	s0 =	sor.u32 s1, s0  }
0xbe: {  	s0 =	sadd.s32 $0x8F2B, s0  }
0xbf: {  	[sflag:s0] =	ssyncadd.remote.s32 $0x1  }
0xc0: {  	_ =	sfence.sel $0xFFFF  }
0xc1: {  	[dreg:$0x0] =	wrdreg $0xFFFFFFFF;
	(pc) =	sbr.abs _section_cstart, $3  }
0xc2: {  	[dreg:$0x1] =	wrdreg $0xFFFFFFFF  }
0xc3: {  	_ =	task.clear_ibuf [dreg:s8], $0x2FFFF;
	_ =	strace $0x9FFFFFFF  }
0xc4: {  	(tm) =	ssettm $0x7FFFFFFF  }
0xc5: {  	_ =	shalt  }
tec
execute0_lowered:
.L_overlay_start_1:
0x0: {  	(tag) =	ssettag $0x1  }
0x1: {  	s4 =	srdreg.scid  }
0x2: {  	s0 =	rddreg [dreg:$0x0];
	s5 =	stileid.u32;
	s4 =	sand.u32 $0x1, s4  }
0x3: {  	s1 =	rddreg [dreg:$0x1];
	s5 =	sshll.u32 s5, $0x7;
	s6 =	sshll.u32 s4, $0x6  }
0x4: {  	s2 =	rddreg [dreg:$0x2];
	s3 =	simm.s32 $0x0;
	s5 =	sor.u32 s6, s5  }
0x5: {  	[smem:$0x7FF] =	sst s3;
	s6 =	sadd.s32 s5, s0;
	s0 =	sadd.s32 $0xD400, s0  }
0x6: {  	_ =	strace $0x80000047;
	[dreg:$0x4] =	wrdreg s0;
	s16 =	sadd.s32 $0x400, s6  }
0x7: {  	s17 =	sadd.s32 $0xC00, s6;
	[dreg:$0x5] =	wrdreg s16  }
0x8: {  	s18 =	sadd.s32 $0x1400, s6;
	[dreg:$0x6] =	wrdreg s17  }
0x9: {  	s7 =	simm.s32 $0x1;
	s19 =	sadd.s32 $0x1C00, s6;
	[dreg:$0x7] =	wrdreg s18  }
0xa: {  	s8 =	simm.s32 $0x0;
	s20 =	sadd.s32 $0x2400, s6;
	[dreg:$0x8] =	wrdreg s19  }
0xb: {  	s4 =	ssub.s32 $0x2, s4;
	s21 =	sadd.s32 $0x2C00, s6;
	[dreg:$0x9] =	wrdreg s20  }
0xc: {  	s15 =	sshrl.u32 s4, $0x1;
	s22 =	sadd.s32 $0x3400, s6;
	[dreg:$0xa] =	wrdreg s21  }
0xd: {  	s4 =	ssub.s32 s4, s15;
	s23 =	sadd.s32 $0x3C00, s6;
	[dreg:$0xb] =	wrdreg s22  }
0xe: {  	s24 =	sadd.s32 $0x4400, s6;
	s25 =	sadd.s32 $0x4C00, s6;
	[dreg:$0xc] =	wrdreg s23  }
0xf: {  	s26 =	sadd.s32 $0x5400, s6;
	s28 =	sadd.s32 $0xAC00, s6;
	[dreg:$0xd] =	wrdreg s24  }
0x10: {  	s29 =	sadd.s32 $0xB400, s6;
	s30 =	sadd.s32 $0xBC00, s6;
	[dreg:$0xe] =	wrdreg s25  }
0x11: {  	s31 =	sadd.s32 $0xC400, s6;
	s0 =	sadd.s32 $0xCC00, s6;
	[dreg:$0xf] =	wrdreg s26  }
0x12: {  	s16 =	sadd.s32 $0x5C00, s6;
	s17 =	sadd.s32 $0x6400, s6;
	s18 =	sadd.s32 $0x6C00, s6  }
0x13: {  	s19 =	sadd.s32 $0x7400, s6;
	s20 =	sadd.s32 $0x7C00, s6;
	s21 =	sadd.s32 $0x8400, s6  }
0x14: {  	s22 =	sadd.s32 s2, s5;
	s23 =	sadd.s32 $0x8C00, s6;
	s24 =	sadd.s32 $0x9400, s6  }
0x15: {  	s25 =	sadd.s32 $0x9C00, s6;
	s26 =	sadd.s32 $0xA400, s6;
	s2 =	smax.u32 s4, $0x1  }
0x16: {  	s4 =	simm.s32 $0x200;
	s5 =	simm.s32 $0x2;
	s6 =	simm.s32 $0x3  }
.LBB2_1:
0x17: {  	s9 =	rddreg [dreg:$0x5]  }
0x18: {  	[tilespmem:s3], [sflag:$0x2] =	stream.linear.gather [hbm4b:s9+s3], $0x200, $0x38;
	[tilespmem:$0x9E80] =	vst v63  }
0x19: {  	s12 =	rddreg [dreg:$0x6]  }
0x1a: {  	[tilespmem:s4], [sflag:$0x2] =	stream.linear.gather [hbm4b:s12+s3], $0x200, $0x38;
	[tilespmem:$0x9E80] =	vst v63  }
0x1b: {  	s13 =	rddreg [dreg:$0x7];
	s10 =	simm.s32 $0x400  }
0x1c: {  	[tilespmem:s10], [sflag:$0x2] =	stream.linear.gather [hbm4b:s13+s3], $0x200, $0x38;
	[tilespmem:$0x9E80] =	vst v63  }
0x1d: {  	s14 =	rddreg [dreg:$0x8];
	s15 =	simm.s32 $0x600  }
0x1e: {  	[tilespmem:s15], [sflag:$0x2] =	stream.linear.gather [hbm4b:s14+s3], $0x200, $0x38;
	[tilespmem:$0x9E80] =	vst v63  }
0x1f: {  	s11 =	simm.s32 $0x800;
	s10 =	rddreg [dreg:$0x9]  }
0x20: {  	[tilespmem:s11], [sflag:$0x2] =	stream.linear.gather [hbm4b:s10+s3], $0x200, $0x38;
	[tilespmem:$0x9E80] =	vst v63  }
0x21: {  	s12 =	rddreg [dreg:$0xa];
	s13 =	simm.s32 $0xA00  }
0x22: {  	[tilespmem:s13], [sflag:$0x2] =	stream.linear.gather [hbm4b:s12+s3], $0x200, $0x38;
	[tilespmem:$0x9E80] =	vst v63  }
0x23: {  	s14 =	rddreg [dreg:$0xb];
	s15 =	simm.s32 $0xC00  }
0x24: {  	[tilespmem:s15], [sflag:$0x2] =	stream.linear.gather [hbm4b:s14+s3], $0x200, $0x38;
	[tilespmem:$0x9E80] =	vst v63  }
0x25: {  	s10 =	rddreg [dreg:$0xc];
	s11 =	simm.s32 $0xE00  }
0x26: {  	[tilespmem:s11], [sflag:$0x2] =	stream.linear.gather [hbm4b:s10+s3], $0x200, $0x38;
	[tilespmem:$0x9E80] =	vst v63  }
0x27: {  	s12 =	rddreg [dreg:$0xd];
	s13 =	simm.s32 $0x1000  }
0x28: {  	[tilespmem:s13], [sflag:$0x2] =	stream.linear.gather [hbm4b:s12+s3], $0x200, $0x38;
	[tilespmem:$0x9E80] =	vst v63  }
0x29: {  	s14 =	rddreg [dreg:$0xe];
	s15 =	simm.s32 $0x1200  }
0x2a: {  	[tilespmem:s15], [sflag:$0x2] =	stream.linear.gather [hbm4b:s14+s3], $0x200, $0x38;
	[tilespmem:$0x9E80] =	vst v63  }
0x2b: {  	s11 =	rddreg [dreg:$0xf];
	s12 =	simm.s32 $0x1400  }
0x2c: {  	[tilespmem:s12], [sflag:$0x2] =	stream.linear.gather [hbm4b:s11+s3], $0x200, $0x38;
	[tilespmem:$0x9E80] =	vst v63  }
0x2d: {  	s13 =	simm.s32 $0x1600  }
0x2e: {  	[tilespmem:s13], [sflag:$0x2] =	stream.linear.gather [hbm4b:s16+s3], $0x200, $0x38;
	[tilespmem:$0x9E80] =	vst v63  }
0x2f: {  	s14 =	simm.s32 $0x1800  }
0x30: {  	[tilespmem:s14], [sflag:$0x2] =	stream.linear.gather [hbm4b:s17+s3], $0x200, $0x38;
	[tilespmem:$0x9E80] =	vst v63  }
0x31: {  	s15 =	simm.s32 $0x1A00  }
0x32: {  	[tilespmem:s15], [sflag:$0x2] =	stream.linear.gather [hbm4b:s18+s3], $0x200, $0x38;
	[tilespmem:$0x9E80] =	vst v63  }
0x33: {  	s10 =	simm.s32 $0x1C00  }
0x34: {  	[tilespmem:s10], [sflag:$0x2] =	stream.linear.gather [hbm4b:s19+s3], $0x200, $0x38;
	[tilespmem:$0x9E80] =	vst v63  }
0x35: {  	s11 =	simm.s32 $0x1E00  }
0x36: {  	[tilespmem:s11], [sflag:$0x2] =	stream.linear.gather [hbm4b:s20+s3], $0x200, $0x38;
	[tilespmem:$0x9E80] =	vst v63  }
0x37: {  	s12 =	simm.s32 $0x2000  }
0x38: {  	[tilespmem:s12], [sflag:$0x2] =	stream.linear.gather [hbm4b:s21+s3], $0x200, $0x38;
	[tilespmem:$0x9E80] =	vst v63  }
0x39: {  	s13 =	simm.s32 $0x2200  }
0x3a: {  	[tilespmem:s13], [sflag:$0x2] =	stream.linear.gather [hbm4b:s23+s3], $0x200, $0x38;
	[tilespmem:$0x9E80] =	vst v63  }
0x3b: {  	s14 =	simm.s32 $0x2400  }
0x3c: {  	[tilespmem:s14], [sflag:$0x2] =	stream.linear.gather [hbm4b:s24+s3], $0x200, $0x38;
	[tilespmem:$0x9E80] =	vst v63  }
0x3d: {  	s15 =	simm.s32 $0x2600  }
0x3e: {  	[tilespmem:s15], [sflag:$0x2] =	stream.linear.gather [hbm4b:s25+s3], $0x200, $0x38;
	[tilespmem:$0x9E80] =	vst v63  }
0x3f: {  	s10 =	simm.s32 $0x2800  }
0x40: {  	[tilespmem:s10], [sflag:$0x2] =	stream.linear.gather [hbm4b:s26+s3], $0x200, $0x38;
	[tilespmem:$0x9E80] =	vst v63  }
0x41: {  	s11 =	simm.s32 $0x2A00  }
0x42: {  	[tilespmem:s11], [sflag:$0x2] =	stream.linear.gather [hbm4b:s28+s3], $0x200, $0x38;
	[tilespmem:$0x9E80] =	vst v63  }
0x43: {  	s12 =	simm.s32 $0x2C00  }
0x44: {  	[tilespmem:s12], [sflag:$0x2] =	stream.linear.gather [hbm4b:s29+s3], $0x200, $0x38;
	[tilespmem:$0x9E80] =	vst v63  }
0x45: {  	s13 =	simm.s32 $0x2E00  }
0x46: {  	[tilespmem:s13], [sflag:$0x2] =	stream.linear.gather [hbm4b:s30+s3], $0x200, $0x38;
	[tilespmem:$0x9E80] =	vst v63  }
0x47: {  	s14 =	simm.s32 $0x3000  }
0x48: {  	[tilespmem:s14], [sflag:$0x2] =	stream.linear.gather [hbm4b:s31+s3], $0x200, $0x38;
	[tilespmem:$0x9E80] =	vst v63  }
0x49: {  	s15 =	simm.s32 $0x3200  }
0x4a: {  	[tilespmem:s15], [sflag:$0x2] =	stream.linear.gather [hbm4b:s0+s3], $0x200, $0x38;
	[tilespmem:$0x9E80] =	vst v63  }
0x4b: {  	s10 =	simm.s32 $0x40;
	s11 =	simm.s32 $0x0;
	s15 =	simm.s32 $0x3440  }
.LBB2_2:
0x4c: {  	_ =	swait.ge [sflag:s5], $0x200  }
0x4d: {  	[sflag:s5] =	ssyncset.done $0x0  }
0x4e: {  	[sflag:s5] =	ssyncadd.s32 $0xFFFFFE00  }
0x4f: {  	v1 =	vld [tilespmem:s10+$0xFFFFFFC0];
	_ =	sdelay $0x1  }
0x50: {  	s9 =	smul.u32 $0x9C40, s11;
	_ =	sdelay $0x1  }
0x51: {  	v0 =	vmov s9  }
0x52: {  	v1 =	vadd.s32 v0, v1  }
0x53: {  	[tilespmem:s15+$0xFFFFFFC0] =	vst v1  }
0x54: {  	v1 =	vld [tilespmem:s10+$0xFFFFFFD0];
	_ =	sdelay $0x4  }
0x55: {  	v1 =	vadd.s32 v0, v1  }
0x56: {  	[tilespmem:s15+$0xFFFFFFD0] =	vst v1  }
0x57: {  	v1 =	vld [tilespmem:s10+$0xFFFFFFE0];
	_ =	sdelay $0x4  }
0x58: {  	v1 =	vadd.s32 v0, v1  }
0x59: {  	[tilespmem:s15+$0xFFFFFFE0] =	vst v1  }
0x5a: {  	v1 =	vld [tilespmem:s10+$0xFFFFFFF0];
	_ =	sdelay $0x4  }
0x5b: {  	v1 =	vadd.s32 v0, v1  }
0x5c: {  	[tilespmem:s15+$0xFFFFFFF0] =	vst v1  }
0x5d: {  	v1 =	vld [tilespmem:s10+$0x0];
	_ =	sdelay $0x4  }
0x5e: {  	v1 =	vadd.s32 v0, v1  }
0x5f: {  	[tilespmem:s15+$0x0] =	vst v1  }
0x60: {  	v1 =	vld [tilespmem:s10+$0x10];
	_ =	sdelay $0x4  }
0x61: {  	v1 =	vadd.s32 v0, v1  }
0x62: {  	[tilespmem:s15+$0x10] =	vst v1  }
0x63: {  	v1 =	vld [tilespmem:s10+$0x20];
	_ =	sdelay $0x4  }
0x64: {  	v1 =	vadd.s32 v0, v1  }
0x65: {  	[tilespmem:s15+$0x20] =	vst v1  }
0x66: {  	v1 =	vld [tilespmem:s10+$0x30];
	_ =	sdelay $0x4  }
0x67: {  	s12 =	sshll.u32 s11, $0x9;
	v1 =	vadd.s32 v0, v1  }
0x68: {  	s13 =	simm.s32 $0x0;
	s14 =	sadd.s32 $0x80, s10;
	s9 =	smov.u32 s15;
	[tilespmem:s15+$0x30] =	vst v1  }
.LBB2_3:
0x69: {  	v1 =	vld [tilespmem:s14+$0xFFFFFFC0];
	s13 =	sadd.s32 $0x8, s13  }
0x6a: {  	p0 =	slt.u32 s13, $0x18;
	_ =	sdelay $0x3  }
0x6b: {  	s9 =	sadd.s32 $0x80, s9;
	v1 =	vadd.s32 v0, v1  }
0x6c: {  	[tilespmem:s9+$0xFFFFFFC0] =	vst v1  }
0x6d: {  	v1 =	vld [tilespmem:s14+$0xFFFFFFD0];
	_ =	sdelay $0x4  }
0x6e: {  	v1 =	vadd.s32 v0, v1  }
0x6f: {  	[tilespmem:s9+$0xFFFFFFD0] =	vst v1  }
0x70: {  	v1 =	vld [tilespmem:s14+$0xFFFFFFE0];
	_ =	sdelay $0x4  }
0x71: {  	v1 =	vadd.s32 v0, v1  }
0x72: {  	[tilespmem:s9+$0xFFFFFFE0] =	vst v1  }
0x73: {  	v1 =	vld [tilespmem:s14+$0xFFFFFFF0];
	_ =	sdelay $0x4  }
0x74: {  	v1 =	vadd.s32 v0, v1  }
0x75: {  	[tilespmem:s9+$0xFFFFFFF0] =	vst v1  }
0x76: {  	v1 =	vld [tilespmem:s14+$0x0];
	_ =	sdelay $0x4  }
0x77: {  	v1 =	vadd.s32 v0, v1  }
0x78: {  	[tilespmem:s9+$0x0] =	vst v1  }
0x79: {  	v1 =	vld [tilespmem:s14+$0x10];
	_ =	sdelay $0x4  }
0x7a: {  	v1 =	vadd.s32 v0, v1  }
0x7b: {  	[tilespmem:s9+$0x10] =	vst v1  }
0x7c: {  	v1 =	vld [tilespmem:s14+$0x20];
	_ =	sdelay $0x4  }
0x7d: {  	v1 =	vadd.s32 v0, v1  }
0x7e: {  	[tilespmem:s9+$0x20] =	vst v1  }
0x7f: {  	v1 =	vld [tilespmem:s14+$0x30];
	_ =	sdelay $0x1  }
.Ltmp0:
0x80: {  	(pc) =	sbr.rel @p0 .LBB2_3-.Ltmp0, $3  }
0x81: {  	_ =	sdelay $0x1  }
0x82: {  	v1 =	vadd.s32 v0, v1  }
0x83: {  	s14 =	sadd.s32 $0x80, s14;
	[tilespmem:s9+$0x30] =	vst v1  }
0x84: {  	s11 =	sadd.s32 $0x1, s11  }
0x85: {  	p0 =	sne.s32 s11, $0x1A  }
.Ltmp1:
0x86: {  	_ = 	snop;
	(pc) =	sbr.rel @p0 .LBB2_2-.Ltmp1, $4  }
0x87: {  	_ = 	snop  }
0x88: {  	s9 =	sadd.s32 $0x6800, s12  }
0x89: {  	s14 =	sadd.s32 $0x3400, s12;
	s15 =	sadd.s32 $0x200, s15;
	s10 =	sadd.s32 $0x200, s10  }
0x8a: {  	[tilespmem:s9], [sflag:$0x1] =	stream.indirect.gather [hbm4b:s1+s4], $0x1, s14, s4, $0xb8;
	[tilespmem:$0x9E80] =	vst v63  }
0x8b: {  	s9 =	simm.s32 $0x0;
	s10 =	rddreg [dreg:$0x4];
	s11 =	simm.s32 $0x9E00  }
0x8c: {  	[tilespmem:s11], [sflag:$0x3] =	stream.linear.gather [hbm4b:s10+s9], $0x80, $0x38;
	[tilespmem:$0x9E80] =	vst v63  }
0x8d: {  	_ =	swait.ge [sflag:s6], $0x80  }
0x8e: {  	[sflag:s6] =	ssyncset.done $0x0  }
0x8f: {  	[sflag:s6] =	ssyncadd.s32 $0xFFFFFF80  }
0x90: {  	v2 =	vld [tilespmem:$0x9E00];
	_ =	sdelay $0x4  }
0x91: {  	[tilespmem:$0x9C00] =	vst v2  }
0x92: {  	[tilespmem:$0x9C10] =	vst v2  }
0x93: {  	[tilespmem:$0x9C20] =	vst v2  }
0x94: {  	[tilespmem:$0x9C30] =	vst v2  }
0x95: {  	[tilespmem:$0x9C40] =	vst v2  }
0x96: {  	[tilespmem:$0x9C50] =	vst v2  }
0x97: {  	[tilespmem:$0x9C60] =	vst v2  }
0x98: {  	[tilespmem:$0x9C70] =	vst v2  }
0x99: {  	[tilespmem:$0x9C80] =	vst v2  }
0x9a: {  	[tilespmem:$0x9C90] =	vst v2  }
0x9b: {  	[tilespmem:$0x9CA0] =	vst v2  }
0x9c: {  	[tilespmem:$0x9CB0] =	vst v2  }
0x9d: {  	[tilespmem:$0x9CC0] =	vst v2  }
0x9e: {  	[tilespmem:$0x9CD0] =	vst v2  }
0x9f: {  	[tilespmem:$0x9CE0] =	vst v2  }
0xa0: {  	[tilespmem:$0x9CF0] =	vst v2  }
0xa1: {  	[tilespmem:$0x9D00] =	vst v2  }
0xa2: {  	[tilespmem:$0x9D10] =	vst v2  }
0xa3: {  	[tilespmem:$0x9D20] =	vst v2  }
0xa4: {  	[tilespmem:$0x9D30] =	vst v2  }
0xa5: {  	[tilespmem:$0x9D40] =	vst v2  }
0xa6: {  	[tilespmem:$0x9D50] =	vst v2  }
0xa7: {  	[tilespmem:$0x9D60] =	vst v2  }
0xa8: {  	[tilespmem:$0x9D70] =	vst v2  }
0xa9: {  	[tilespmem:$0x9D80] =	vst v2  }
0xaa: {  	[tilespmem:$0x9D90] =	vst v2  }
0xab: {  	[tilespmem:$0x9DA0] =	vst v2  }
0xac: {  	[tilespmem:$0x9DB0] =	vst v2  }
0xad: {  	[tilespmem:$0x9DC0] =	vst v2  }
0xae: {  	[tilespmem:$0x9DD0] =	vst v2  }
0xaf: {  	[tilespmem:$0x9DE0] =	vst v2  }
0xb0: {  	[tilespmem:$0x9DF0] =	vst v2  }
0xb1: {  	_ =	swait.ge [sflag:s7], $0x200  }
0xb2: {  	[sflag:s7] =	ssyncset.done $0x0  }
0xb3: {  	[sflag:s7] =	ssyncadd.s32 $0xFFFFFE00  }
0xb4: {  	s15 =	simm.s32 $0x0;
	v0 =	vld [tilespmem:$0x9C00]  }
0xb5: {  	v1 =	vld [tilespmem:s15+$0x6800];
	_ =	sdelay $0x4  }
0xb6: {  	v0 =	vadd.f32 v1, v0;
	_ =	sdelay $0x1  }
0xb7: {  	v1 =	vld [tilespmem:$0x9C10];
	[tilespmem:$0x9C00] =	vst v0  }
0xb8: {  	v0 =	vld [tilespmem:s15+$0x6810];
	_ =	sdelay $0x4  }
0xb9: {  	v0 =	vadd.f32 v0, v1;
	_ =	sdelay $0x1  }
0xba: {  	v1 =	vld [tilespmem:$0x9C20];
	[tilespmem:$0x9C10] =	vst v0  }
0xbb: {  	v0 =	vld [tilespmem:s15+$0x6820];
	_ =	sdelay $0x4  }
0xbc: {  	v0 =	vadd.f32 v0, v1;
	_ =	sdelay $0x1  }
0xbd: {  	v1 =	vld [tilespmem:$0x9C30];
	[tilespmem:$0x9C20] =	vst v0  }
0xbe: {  	v0 =	vld [tilespmem:s15+$0x6830];
	_ =	sdelay $0x4  }
0xbf: {  	v0 =	vadd.f32 v0, v1;
	_ =	sdelay $0x1  }
0xc0: {  	v1 =	vld [tilespmem:$0x9C40];
	[tilespmem:$0x9C30] =	vst v0  }
0xc1: {  	v0 =	vld [tilespmem:s15+$0x6840];
	_ =	sdelay $0x4  }
0xc2: {  	v0 =	vadd.f32 v0, v1;
	_ =	sdelay $0x1  }
0xc3: {  	v1 =	vld [tilespmem:$0x9C50];
	[tilespmem:$0x9C40] =	vst v0  }
0xc4: {  	v0 =	vld [tilespmem:s15+$0x6850];
	_ =	sdelay $0x4  }
0xc5: {  	v0 =	vadd.f32 v0, v1;
	_ =	sdelay $0x1  }
0xc6: {  	v1 =	vld [tilespmem:$0x9C60];
	[tilespmem:$0x9C50] =	vst v0  }
0xc7: {  	v0 =	vld [tilespmem:s15+$0x6860];
	_ =	sdelay $0x4  }
0xc8: {  	v0 =	vadd.f32 v0, v1;
	_ =	sdelay $0x1  }
0xc9: {  	v1 =	vld [tilespmem:$0x9C70];
	[tilespmem:$0x9C60] =	vst v0  }
0xca: {  	v0 =	vld [tilespmem:s15+$0x6870];
	_ =	sdelay $0x4  }
0xcb: {  	v0 =	vadd.f32 v0, v1;
	_ =	sdelay $0x1  }
0xcc: {  	v1 =	vld [tilespmem:$0x9C80];
	[tilespmem:$0x9C70] =	vst v0  }
0xcd: {  	v0 =	vld [tilespmem:s15+$0x6880];
	_ =	sdelay $0x4  }
0xce: {  	v0 =	vadd.f32 v0, v1;
	_ =	sdelay $0x1  }
0xcf: {  	v1 =	vld [tilespmem:$0x9C90];
	[tilespmem:$0x9C80] =	vst v0  }
0xd0: {  	v0 =	vld [tilespmem:s15+$0x6890];
	_ =	sdelay $0x4  }
0xd1: {  	v0 =	vadd.f32 v0, v1;
	_ =	sdelay $0x1  }
0xd2: {  	v1 =	vld [tilespmem:$0x9CA0];
	[tilespmem:$0x9C90] =	vst v0  }
0xd3: {  	v0 =	vld [tilespmem:s15+$0x68A0];
	_ =	sdelay $0x4  }
0xd4: {  	v0 =	vadd.f32 v0, v1;
	_ =	sdelay $0x1  }
0xd5: {  	v1 =	vld [tilespmem:$0x9CB0];
	[tilespmem:$0x9CA0] =	vst v0  }
0xd6: {  	v0 =	vld [tilespmem:s15+$0x68B0];
	_ =	sdelay $0x4  }
0xd7: {  	v0 =	vadd.f32 v0, v1;
	_ =	sdelay $0x1  }
0xd8: {  	v1 =	vld [tilespmem:$0x9CC0];
	[tilespmem:$0x9CB0] =	vst v0  }
0xd9: {  	v0 =	vld [tilespmem:s15+$0x68C0];
	_ =	sdelay $0x4  }
0xda: {  	v0 =	vadd.f32 v0, v1;
	_ =	sdelay $0x1  }
0xdb: {  	v1 =	vld [tilespmem:$0x9CD0];
	[tilespmem:$0x9CC0] =	vst v0  }
0xdc: {  	v0 =	vld [tilespmem:s15+$0x68D0];
	_ =	sdelay $0x4  }
0xdd: {  	v0 =	vadd.f32 v0, v1;
	_ =	sdelay $0x1  }
0xde: {  	v1 =	vld [tilespmem:$0x9CE0];
	[tilespmem:$0x9CD0] =	vst v0  }
0xdf: {  	v0 =	vld [tilespmem:s15+$0x68E0];
	_ =	sdelay $0x4  }
0xe0: {  	v0 =	vadd.f32 v0, v1;
	_ =	sdelay $0x1  }
0xe1: {  	v1 =	vld [tilespmem:$0x9CF0];
	[tilespmem:$0x9CE0] =	vst v0  }
0xe2: {  	v0 =	vld [tilespmem:s15+$0x68F0];
	_ =	sdelay $0x4  }
0xe3: {  	v0 =	vadd.f32 v0, v1;
	_ =	sdelay $0x1  }
0xe4: {  	[tilespmem:$0x9CF0] =	vst v0  }
0xe5: {  	v0 =	vld [tilespmem:s15+$0x6900];
	_ =	sdelay $0x4  }
0xe6: {  	v0 =	vadd.f32 v0, v2;
	_ =	sdelay $0x1  }
0xe7: {  	[tilespmem:$0x9D00] =	vst v0  }
0xe8: {  	v1 =	vld [tilespmem:s15+$0x6910];
	_ =	sdelay $0x4  }
0xe9: {  	v1 =	vadd.f32 v1, v2;
	_ =	sdelay $0x1  }
0xea: {  	[tilespmem:$0x9D10] =	vst v1  }
0xeb: {  	v3 =	vld [tilespmem:s15+$0x6920];
	_ =	sdelay $0x4  }
0xec: {  	v2 =	vadd.f32 v3, v2;
	_ =	sdelay $0x1  }
0xed: {  	v3 =	vld [tilespmem:$0x9D30];
	[tilespmem:$0x9D20] =	vst v2  }
0xee: {  	v4 =	vld [tilespmem:s15+$0x6930];
	_ =	sdelay $0x4  }
0xef: {  	v3 =	vadd.f32 v4, v3;
	_ =	sdelay $0x1  }
0xf0: {  	v4 =	vld [tilespmem:$0x9D40];
	[tilespmem:$0x9D30] =	vst v3  }
0xf1: {  	v3 =	vld [tilespmem:s15+$0x6940];
	_ =	sdelay $0x4  }
0xf2: {  	v3 =	vadd.f32 v3, v4;
	_ =	sdelay $0x1  }
0xf3: {  	v4 =	vld [tilespmem:$0x9D50];
	[tilespmem:$0x9D40] =	vst v3  }
0xf4: {  	v3 =	vld [tilespmem:s15+$0x6950];
	_ =	sdelay $0x4  }
0xf5: {  	v3 =	vadd.f32 v3, v4;
	_ =	sdelay $0x1  }
0xf6: {  	v4 =	vld [tilespmem:$0x9D60];
	[tilespmem:$0x9D50] =	vst v3  }
0xf7: {  	v3 =	vld [tilespmem:s15+$0x6960];
	_ =	sdelay $0x4  }
0xf8: {  	v3 =	vadd.f32 v3, v4;
	_ =	sdelay $0x1  }
0xf9: {  	v4 =	vld [tilespmem:$0x9D70];
	[tilespmem:$0x9D60] =	vst v3  }
0xfa: {  	v3 =	vld [tilespmem:s15+$0x6970];
	_ =	sdelay $0x4  }
0xfb: {  	v3 =	vadd.f32 v3, v4;
	_ =	sdelay $0x1  }
0xfc: {  	v4 =	vld [tilespmem:$0x9D80];
	[tilespmem:$0x9D70] =	vst v3  }
0xfd: {  	v3 =	vld [tilespmem:s15+$0x6980];
	_ =	sdelay $0x4  }
0xfe: {  	v3 =	vadd.f32 v3, v4;
	_ =	sdelay $0x1  }
0xff: {  	v4 =	vld [tilespmem:$0x9D90];
	[tilespmem:$0x9D80] =	vst v3  }
0x100: {  	v3 =	vld [tilespmem:s15+$0x6990];
	_ =	sdelay $0x4  }
0x101: {  	v3 =	vadd.f32 v3, v4;
	_ =	sdelay $0x1  }
0x102: {  	v4 =	vld [tilespmem:$0x9DA0];
	[tilespmem:$0x9D90] =	vst v3  }
0x103: {  	v3 =	vld [tilespmem:s15+$0x69A0];
	_ =	sdelay $0x4  }
0x104: {  	v3 =	vadd.f32 v3, v4;
	_ =	sdelay $0x1  }
0x105: {  	v4 =	vld [tilespmem:$0x9DB0];
	[tilespmem:$0x9DA0] =	vst v3  }
0x106: {  	v3 =	vld [tilespmem:s15+$0x69B0];
	_ =	sdelay $0x4  }
0x107: {  	v3 =	vadd.f32 v3, v4;
	_ =	sdelay $0x1  }
0x108: {  	v4 =	vld [tilespmem:$0x9DC0];
	[tilespmem:$0x9DB0] =	vst v3  }
0x109: {  	v3 =	vld [tilespmem:s15+$0x69C0];
	_ =	sdelay $0x4  }
0x10a: {  	v3 =	vadd.f32 v3, v4;
	_ =	sdelay $0x1  }
0x10b: {  	v4 =	vld [tilespmem:$0x9DD0];
	[tilespmem:$0x9DC0] =	vst v3  }
0x10c: {  	v3 =	vld [tilespmem:s15+$0x69D0];
	_ =	sdelay $0x4  }
0x10d: {  	v3 =	vadd.f32 v3, v4;
	_ =	sdelay $0x1  }
0x10e: {  	v4 =	vld [tilespmem:$0x9DE0];
	[tilespmem:$0x9DD0] =	vst v3  }
0x10f: {  	v3 =	vld [tilespmem:s15+$0x69E0];
	_ =	sdelay $0x4  }
0x110: {  	v3 =	vadd.f32 v3, v4;
	_ =	sdelay $0x1  }
0x111: {  	v4 =	vld [tilespmem:$0x9DF0];
	[tilespmem:$0x9DE0] =	vst v3  }
0x112: {  	v3 =	vld [tilespmem:s15+$0x69F0];
	_ =	sdelay $0x4  }
0x113: {  	s9 =	simm.s32 $0x800;
	v3 =	vadd.f32 v3, v4  }
.LBB2_6:
0x114: {  	p0 =	sne.s32 s9, $0xC800;
	s10 =	smov.u32 s9;
	s9 =	sadd.s32 $0x800, s9  }
0x115: {  	[tilespmem:$0x9DF0] =	vst v3  }
0x116: {  	_ =	swait.ge [sflag:s7], $0x200  }
0x117: {  	[sflag:s7] =	ssyncset.done $0x0  }
0x118: {  	s10 =	sshra.s32 s10, $0x2;
	[sflag:s7] =	ssyncadd.s32 $0xFFFFFE00  }
0x119: {  	v3 =	vld [tilespmem:$0x9C00]  }
0x11a: {  	v4 =	vld [tilespmem:s10+$0x6800]  }
0x11b: {  	v5 =	vld [tilespmem:$0x9C10]  }
0x11c: {  	v6 =	vld [tilespmem:$0x9C20]  }
0x11d: {  	v21 =	vld [tilespmem:$0x9C30]  }
0x11e: {  	v22 =	vld [tilespmem:$0x9C40]  }
0x11f: {  	v3 =	vadd.f32 v4, v3;
	v23 =	vld [tilespmem:$0x9C50]  }
0x120: {  	v24 =	vld [tilespmem:$0x9C60]  }
0x121: {  	[tilespmem:$0x9C00] =	vst v3;
	v25 =	vld [tilespmem:$0x9C70]  }
0x122: {  	v3 =	vld [tilespmem:s10+$0x6810]  }
0x123: {  	v26 =	vld [tilespmem:$0x9C80]  }
0x124: {  	v27 =	vld [tilespmem:$0x9C90]  }
0x125: {  	v28 =	vld [tilespmem:$0x9CA0]  }
0x126: {  	v20 =	vld [tilespmem:$0x9CB0]  }
0x127: {  	v3 =	vadd.f32 v3, v5;
	v19 =	vld [tilespmem:$0x9CC0]  }
0x128: {  	v18 =	vld [tilespmem:$0x9CD0]  }
0x129: {  	[tilespmem:$0x9C10] =	vst v3;
	v17 =	vld [tilespmem:$0x9CE0]  }
0x12a: {  	v3 =	vld [tilespmem:s10+$0x6820]  }
0x12b: {  	v16 =	vld [tilespmem:$0x9CF0]  }
0x12c: {  	v15 =	vld [tilespmem:$0x9D30]  }
0x12d: {  	v14 =	vld [tilespmem:$0x9D40]  }
0x12e: {  	v13 =	vld [tilespmem:$0x9D50]  }
0x12f: {  	v3 =	vadd.f32 v3, v6;
	v12 =	vld [tilespmem:$0x9D60]  }
0x130: {  	v11 =	vld [tilespmem:$0x9D70]  }
0x131: {  	[tilespmem:$0x9C20] =	vst v3;
	v10 =	vld [tilespmem:$0x9D80]  }
0x132: {  	v3 =	vld [tilespmem:s10+$0x6830]  }
0x133: {  	v9 =	vld [tilespmem:$0x9D90]  }
0x134: {  	v8 =	vld [tilespmem:$0x9DA0]  }
0x135: {  	v7 =	vld [tilespmem:$0x9DB0]  }
0x136: {  	v6 =	vld [tilespmem:$0x9DC0]  }
0x137: {  	v3 =	vadd.f32 v3, v21;
	v5 =	vld [tilespmem:$0x9DD0]  }
0x138: {  	v4 =	vld [tilespmem:$0x9DE0]  }
0x139: {  	[tilespmem:$0x9C30] =	vst v3;
	v3 =	vld [tilespmem:$0x9DF0]  }
0x13a: {  	v21 =	vld [tilespmem:s10+$0x6840];
	_ =	sdelay $0x4  }
0x13b: {  	v21 =	vadd.f32 v21, v22;
	_ =	sdelay $0x1  }
0x13c: {  	[tilespmem:$0x9C40] =	vst v21  }
0x13d: {  	v21 =	vld [tilespmem:s10+$0x6850];
	_ =	sdelay $0x4  }
0x13e: {  	v21 =	vadd.f32 v21, v23;
	_ =	sdelay $0x1  }
0x13f: {  	[tilespmem:$0x9C50] =	vst v21  }
0x140: {  	v21 =	vld [tilespmem:s10+$0x6860];
	_ =	sdelay $0x4  }
0x141: {  	v21 =	vadd.f32 v21, v24;
	_ =	sdelay $0x1  }
0x142: {  	[tilespmem:$0x9C60] =	vst v21  }
0x143: {  	v21 =	vld [tilespmem:s10+$0x6870];
	_ =	sdelay $0x4  }
0x144: {  	v21 =	vadd.f32 v21, v25;
	_ =	sdelay $0x1  }
0x145: {  	[tilespmem:$0x9C70] =	vst v21  }
0x146: {  	v21 =	vld [tilespmem:s10+$0x6880];
	_ =	sdelay $0x4  }
0x147: {  	v21 =	vadd.f32 v21, v26;
	_ =	sdelay $0x1  }
0x148: {  	[tilespmem:$0x9C80] =	vst v21  }
0x149: {  	v21 =	vld [tilespmem:s10+$0x6890];
	_ =	sdelay $0x4  }
0x14a: {  	v21 =	vadd.f32 v21, v27;
	_ =	sdelay $0x1  }
0x14b: {  	[tilespmem:$0x9C90] =	vst v21  }
0x14c: {  	v21 =	vld [tilespmem:s10+$0x68A0];
	_ =	sdelay $0x4  }
0x14d: {  	v21 =	vadd.f32 v21, v28;
	_ =	sdelay $0x1  }
0x14e: {  	[tilespmem:$0x9CA0] =	vst v21  }
0x14f: {  	v21 =	vld [tilespmem:s10+$0x68B0];
	_ =	sdelay $0x4  }
0x150: {  	v20 =	vadd.f32 v21, v20;
	_ =	sdelay $0x1  }
0x151: {  	[tilespmem:$0x9CB0] =	vst v20  }
0x152: {  	v20 =	vld [tilespmem:s10+$0x68C0];
	_ =	sdelay $0x4  }
0x153: {  	v19 =	vadd.f32 v20, v19;
	_ =	sdelay $0x1  }
0x154: {  	[tilespmem:$0x9CC0] =	vst v19  }
0x155: {  	v19 =	vld [tilespmem:s10+$0x68D0];
	_ =	sdelay $0x4  }
0x156: {  	v18 =	vadd.f32 v19, v18;
	_ =	sdelay $0x1  }
0x157: {  	[tilespmem:$0x9CD0] =	vst v18  }
0x158: {  	v18 =	vld [tilespmem:s10+$0x68E0];
	_ =	sdelay $0x4  }
0x159: {  	v17 =	vadd.f32 v18, v17;
	_ =	sdelay $0x1  }
0x15a: {  	[tilespmem:$0x9CE0] =	vst v17  }
0x15b: {  	v17 =	vld [tilespmem:s10+$0x68F0];
	_ =	sdelay $0x4  }
0x15c: {  	v16 =	vadd.f32 v17, v16;
	_ =	sdelay $0x1  }
0x15d: {  	[tilespmem:$0x9CF0] =	vst v16  }
0x15e: {  	v16 =	vld [tilespmem:s10+$0x6900];
	_ =	sdelay $0x4  }
0x15f: {  	v0 =	vadd.f32 v16, v0;
	_ =	sdelay $0x1  }
0x160: {  	[tilespmem:$0x9D00] =	vst v0  }
0x161: {  	v16 =	vld [tilespmem:s10+$0x6910];
	_ =	sdelay $0x4  }
0x162: {  	v1 =	vadd.f32 v16, v1;
	_ =	sdelay $0x1  }
0x163: {  	[tilespmem:$0x9D10] =	vst v1  }
0x164: {  	v16 =	vld [tilespmem:s10+$0x6920];
	_ =	sdelay $0x4  }
0x165: {  	v2 =	vadd.f32 v16, v2;
	_ =	sdelay $0x1  }
0x166: {  	[tilespmem:$0x9D20] =	vst v2  }
0x167: {  	v16 =	vld [tilespmem:s10+$0x6930];
	_ =	sdelay $0x4  }
0x168: {  	v15 =	vadd.f32 v16, v15;
	_ =	sdelay $0x1  }
0x169: {  	[tilespmem:$0x9D30] =	vst v15  }
0x16a: {  	v15 =	vld [tilespmem:s10+$0x6940];
	_ =	sdelay $0x4  }
0x16b: {  	v14 =	vadd.f32 v15, v14;
	_ =	sdelay $0x1  }
0x16c: {  	[tilespmem:$0x9D40] =	vst v14  }
0x16d: {  	v14 =	vld [tilespmem:s10+$0x6950];
	_ =	sdelay $0x4  }
0x16e: {  	v13 =	vadd.f32 v14, v13;
	_ =	sdelay $0x1  }
0x16f: {  	[tilespmem:$0x9D50] =	vst v13  }
0x170: {  	v13 =	vld [tilespmem:s10+$0x6960];
	_ =	sdelay $0x4  }
0x171: {  	v12 =	vadd.f32 v13, v12;
	_ =	sdelay $0x1  }
0x172: {  	[tilespmem:$0x9D60] =	vst v12  }
0x173: {  	v12 =	vld [tilespmem:s10+$0x6970];
	_ =	sdelay $0x4  }
0x174: {  	v11 =	vadd.f32 v12, v11;
	_ =	sdelay $0x1  }
0x175: {  	[tilespmem:$0x9D70] =	vst v11  }
0x176: {  	v11 =	vld [tilespmem:s10+$0x6980];
	_ =	sdelay $0x4  }
0x177: {  	v10 =	vadd.f32 v11, v10;
	_ =	sdelay $0x1  }
0x178: {  	[tilespmem:$0x9D80] =	vst v10  }
0x179: {  	v10 =	vld [tilespmem:s10+$0x6990];
	_ =	sdelay $0x4  }
0x17a: {  	v9 =	vadd.f32 v10, v9;
	_ =	sdelay $0x1  }
0x17b: {  	[tilespmem:$0x9D90] =	vst v9  }
0x17c: {  	v9 =	vld [tilespmem:s10+$0x69A0];
	_ =	sdelay $0x4  }
0x17d: {  	v8 =	vadd.f32 v9, v8;
	_ =	sdelay $0x1  }
0x17e: {  	[tilespmem:$0x9DA0] =	vst v8  }
0x17f: {  	v8 =	vld [tilespmem:s10+$0x69B0];
	_ =	sdelay $0x4  }
0x180: {  	v7 =	vadd.f32 v8, v7;
	_ =	sdelay $0x1  }
0x181: {  	[tilespmem:$0x9DB0] =	vst v7  }
0x182: {  	v7 =	vld [tilespmem:s10+$0x69C0];
	_ =	sdelay $0x4  }
0x183: {  	v6 =	vadd.f32 v7, v6;
	_ =	sdelay $0x1  }
0x184: {  	[tilespmem:$0x9DC0] =	vst v6  }
0x185: {  	v6 =	vld [tilespmem:s10+$0x69D0];
	_ =	sdelay $0x4  }
0x186: {  	v5 =	vadd.f32 v6, v5;
	_ =	sdelay $0x1  }
0x187: {  	[tilespmem:$0x9DD0] =	vst v5  }
0x188: {  	v5 =	vld [tilespmem:s10+$0x69E0];
	_ =	sdelay $0x4  }
0x189: {  	v4 =	vadd.f32 v5, v4;
	_ =	sdelay $0x1  }
0x18a: {  	[tilespmem:$0x9DE0] =	vst v4  }
0x18b: {  	v4 =	vld [tilespmem:s10+$0x69F0]  }
.Ltmp2:
0x18c: {  	(pc) =	sbr.rel @p0 .LBB2_6-.Ltmp2, $2  }
0x18d: {  	_ =	sdelay $0x2  }
0x18e: {  	v3 =	vadd.f32 v4, v3  }
0x18f: {  	s8 =	sadd.s32 $0x1, s8  }
0x190: {  	p0 =	sne.s32 s8, s2  }
.Ltmp3:
0x191: {  	s9 =	simm.s32 $0x9C00;
	[tilespmem:$0x9DF0] =	vst v3;
	(pc) =	sbr.rel @p0 .LBB2_1-.Ltmp3, $4  }
0x192: {  	[hbm4b:s22+s3] =	stream.linear.scatter [tilespmem:s9], [sflag:$0x3], $0x200, $0x38;
	[tilespmem:$0x9E80] =	vst v63  }
0x193: {  	_ =	swait.ge [sflag:s6], $0x200  }
0x194: {  	[sflag:s6] =	ssyncset.done $0x0  }
0x195: {  	[sflag:s6] =	ssyncadd.s32 $0xFFFFFE00  }
0x196: {  	_ =	sfence.sel $0x180000  }
0x197: {  	[bflag:$0x0] =	sbarrier.arrive $0xFFFF  }
0x198: {  	_ =	strace $0x90000047  }
0x199: {  	s0 =	stileid.u32;
	[bflag:$0x2] =	sbarrier.arrive $0xFFFF  }
0x19a: {  	p0 =	sne.s32 s0, $0x0;
	s0 =	rddreg [dreg:$0x3]  }
0x19b: {  	s0 =	sadd.s32 @!p0 $0x100000, s0  }
0x19c: {  	[sflag:s0] =	ssyncadd.tile.s32 @!p0 $0x1;
	_ =	shalt  }
.Lfunc_end2:
_tile_overlayer_lowered:
.L_overlay_start_2:
0x19d: {  	(tag) =	ssettag $0x2  }
0x19e: {  	s0 =	rddreg [dreg:$0x0];
	s2 =	stileid.u32  }
0x19f: {  	s1 =	rddreg [dreg:$0x1];
	p0 =	sne.s32 s2, $0x0  }
0x1a0: {  	s3 =	rddreg [dreg:$0x2];
	[bflag:$0x3] =	sbarrier.arrive $0xFFFF;
	s2 =	simm.s32 @!p0 $0x1C03  }
0x1a1: {  	[timem:s3], [sflag:s2] =	dma.local @!p0 [hbm:s0], s1  }
0x1a2: {  	s0 =	simm.s32 @!p0 $0x3  }
0x1a3: {  	_ =	swait.ge @!p0 [sflag:s0], s1  }
0x1a4: {  	s1 =	ssub.s32 @!p0 $0x0, s1;
	[sflag:s0] =	ssyncset.done @!p0 $0x0  }
0x1a5: {  	[sflag:s0] =	ssyncadd.s32 @!p0 s1  }
0x1a6: {  	[bflag:$0x3] =	sbarrier.arrive $0xFFFF  }
0x1a7: {  	_ =	shalt  }

</sc_bundles>
